<compile_context>
chip_gen: v7x
topology: tpu7x:2x2x1
jax: 0.10.2.dev20260603
libtpu: 0.0.44.dev20260713+nightly
codegen_flags: <defaults>
</compile_context>

<pallas_src>
import functools

import jax
import jax.numpy as jnp
from jax import lax
from jax.experimental import pallas as pl
from jax.experimental.pallas import tpu as pltpu
from jax.experimental.pallas import tpu_sc as plsc

_B, _V, _D, _C = 16384, 1000000, 64, 128
_H = 1 << 19
_NC, _NS = 2, 16
_NW = _NC * _NS
_BPW = _B // _NW
_CH = 128
_NK = _BPW // _CH

_mesh = plsc.VectorSubcoreMesh(
    core_axis_name="c", subcore_axis_name="s", num_cores=_NC, num_subcores=_NS
)


def _worker_id():
  return lax.axis_index("s") * _NC + lax.axis_index("c")



_BP = 8192
_NBL = _H // _BP
_NBT = pl.cdiv(_V, _BP)


def _cin_body(x1_ref, x2_ref, o_ref):
  o_ref[:, 0:_D] = x1_ref[...].T
  o_ref[:, _D:128] = x2_ref[...].T


_conv_in = pl.pallas_call(
    _cin_body,
    grid=(_NBL,),
    in_specs=[
        pl.BlockSpec((_D, _BP), lambda i: (0, i)),
        pl.BlockSpec((_D, _BP), lambda i: (0, jnp.minimum(_NBL + i, _NBT - 1))),
    ],
    out_specs=pl.BlockSpec((_BP, 128), lambda i: (i, 0)),
    out_shape=jax.ShapeDtypeStruct((_H, 128), jnp.float32),
)


def _cout_body(x_ref, o_ref):
  j = pl.program_id(0)
  xt = x_ref[...].T
  o_ref[...] = jnp.where(j >= _NBL, xt[_D:128, :], xt[0:_D, :])


_conv_out = pl.pallas_call(
    _cout_body,
    grid=(_NBT,),
    in_specs=[
        pl.BlockSpec((_BP, 128), lambda j: (jnp.where(j >= _NBL, j - _NBL, j), 0)),
    ],
    out_specs=pl.BlockSpec((_D, _BP), lambda j: (0, j)),
    out_shape=jax.ShapeDtypeStruct((_D, _V), jnp.float32),
)



_SC_PARAMS = pltpu.CompilerParams(use_tc_tiling_on_sc=False)


def _gather_body(t2f_hbm, idx_hbm, out_hbm, idx_v, rows_v, sem):
  wid = _worker_id()
  for k in range(_NK):
    base = (wid * _NK + k) * _CH
    pltpu.sync_copy(idx_hbm.at[pl.ds(base, _CH)], idx_v)
    pltpu.async_copy(t2f_hbm.at[idx_v], rows_v, sem).wait()
    pltpu.sync_copy(rows_v, out_hbm.at[pl.ds(base, _CH)])


_gather = functools.partial(
    pl.kernel,
    out_type=jax.ShapeDtypeStruct((_B, _D), jnp.float32),
    mesh=_mesh,
    scratch_types=[
        pltpu.VMEM((_CH,), jnp.int32),
        pltpu.VMEM((_CH, _D), jnp.float32),
        pltpu.SemaphoreType.DMA,
    ],
    compiler_params=_SC_PARAMS,
)(_gather_body)


def _scatter_body(upd_hbm, idx_hbm, src_hbm, tbl_ref, idx_v, src_v, rows_v, sem):
  wid = _worker_id()
  for k in range(_NK):
    base = (wid * _NK + k) * _CH
    pltpu.sync_copy(idx_hbm.at[pl.ds(base, _CH)], idx_v)
    pltpu.sync_copy(src_hbm.at[pl.ds(base, _CH)], src_v)
    pltpu.async_copy(upd_hbm.at[src_v], rows_v, sem).wait()
    pltpu.async_copy(rows_v, tbl_ref.at[idx_v], sem).wait()


_scatter = functools.partial(
    pl.kernel,
    out_type=(),
    mesh=_mesh,
    scratch_types=[
        pltpu.VMEM((_CH,), jnp.int32),
        pltpu.VMEM((_CH,), jnp.int32),
        pltpu.VMEM((_CH, _D), jnp.float32),
        pltpu.SemaphoreType.DMA,
    ],
    compiler_params=_SC_PARAMS,
)(_scatter_body)



_BT = 2048


def _compute_body(ctx_ref, emb_ref, wc_ref, bc_ref, wd_ref, bd_ref, out_ref):
  ctx = ctx_ref[...]
  emb = emb_ref[...]
  ct = jax.nn.sigmoid(
      jnp.dot(ctx, wc_ref[...], preferred_element_type=jnp.float32) + bc_ref[...]
  )
  t = jnp.dot(emb, wd_ref[...], preferred_element_type=jnp.float32) + bd_ref[...]
  dl = jax.nn.sigmoid(t * ct)
  u = dl * emb + (1.0 - dl) * ct
  n = jnp.sqrt(jnp.sum(u * u, axis=1, keepdims=True))
  out_ref[...] = u / jnp.maximum(n, 1e-12)


_compute_in_specs = [
    pl.BlockSpec((_BT, _C), lambda i: (i, 0)),
    pl.BlockSpec((_BT, _D), lambda i: (i, 0)),
    pl.BlockSpec((_C, _D), lambda i: (0, 0)),
    pl.BlockSpec((1, _D), lambda i: (0, 0)),
    pl.BlockSpec((_D, _D), lambda i: (0, 0)),
    pl.BlockSpec((1, _D), lambda i: (0, 0)),
]

_compute = pl.pallas_call(
    _compute_body,
    grid=(_B // _BT,),
    in_specs=_compute_in_specs,
    out_specs=pl.BlockSpec((_BT, _D), lambda i: (i, 0)),
    out_shape=jax.ShapeDtypeStruct((_B, _D), jnp.float32),
)




def _winner_src(flat):
  iota = jnp.arange(_B, dtype=jnp.int32)
  order = jnp.argsort(flat, stable=True)
  sv = flat[order]
  last_flag = jnp.concatenate([sv[1:] != sv[:-1], jnp.ones((1,), jnp.bool_)])
  lastpos = jnp.flip(lax.cummin(jnp.flip(jnp.where(last_flag, iota, _B))))
  winner_sorted = order[lastpos]
  inv = jnp.argsort(order, stable=True)
  return winner_sorted[inv].astype(jnp.int32)


def kernel(inputs, context, table, W_ctx, b_ctx, W_delta, b_delta):
  flat = inputs.reshape(_B).astype(jnp.int32)
  src = _winner_src(flat)
  half = flat >= _H
  fr = jnp.where(half, 2 * (flat - _H) + 1, 2 * flat)

  tT = table.T
  t2f = _conv_in(tT, tT).reshape(2 * _H, _D)
  emb = _gather(t2f, fr)
  out = _compute(
      context, emb, W_ctx, b_ctx.reshape(1, _D), W_delta, b_delta.reshape(1, _D)
  )

  tref = jax.new_ref(t2f)
  _scatter(out, fr, src, tref)
  t2n = jax.freeze(tref).reshape(_H, 128)
  return out, _conv_out(t2n).T

# --- scband reference (transcript-rebuilt; emitter-appended) ---
"""Pipeline reference for scband-dynamic-entity-32195074851378 (READ-ONLY COPY).

The authoritative reference and input builder live on the scoring server;
editing this copy changes nothing except your own understanding.
"""

import jax, jax.numpy as jnp
import numpy as np

B, L, V, D, C = 16384, 1, 1000000, 64, 128


def setup_inputs(seed: int = 0) -> dict:
    key = jax.random.key(seed)
    ks = jax.random.split(key, 6)
    inputs = jax.random.randint(ks[0], (B, L), 0, V)
    context = jax.random.normal(ks[1], (B, C), dtype=jnp.float32)
    table = jax.random.normal(ks[2], (V, D), dtype=jnp.float32) * 0.02
    W_ctx = jax.random.normal(ks[3], (C, D), dtype=jnp.float32) * (1.0 / np.sqrt(C))
    b_ctx = jnp.zeros((D,), jnp.float32)
    W_delta = jax.random.normal(ks[4], (D, D), dtype=jnp.float32) * (1.0 / np.sqrt(D))
    b_delta = jnp.zeros((D,), jnp.float32)
    return {"inputs": inputs, "context": context, "table": table,
            "W_ctx": W_ctx, "b_ctx": b_ctx, "W_delta": W_delta, "b_delta": b_delta}


def reference(inputs, context, table, W_ctx, b_ctx, W_delta, b_delta):
    # embedder lookup: gather entity rows
    embedded = jnp.take(table, inputs, axis=0)  # [B, L, D]
    # FeedForward(context_dim -> entity_dim, 1 layer, Sigmoid activation, dropout 0)
    ctx_t = jax.nn.sigmoid(context @ W_ctx + b_ctx)  # [B, D]
    ctx_e = jnp.broadcast_to(ctx_t[:, None, :], embedded.shape)  # [B, L, D]
    # gated delta update
    entity_delta = jax.nn.sigmoid((embedded @ W_delta + b_delta) * ctx_e)
    entities_updated = entity_delta * embedded + (1.0 - entity_delta) * ctx_e
    # torch F.normalize(p=2, dim=-1) with eps 1e-12
    denom = jnp.clip(jnp.linalg.norm(entities_updated, ord=2, axis=-1, keepdims=True), 1e-12, None)
    entities_updated_norm = entities_updated / denom
    # embedder.update(inputs, entities_updated_norm): scatter-overwrite into the memory table
    table_new = table.at[inputs.reshape(-1)].set(entities_updated_norm.reshape(-1, D))
    # no entity_encoder -> squeeze dim=1
    out = jnp.squeeze(entities_updated_norm, axis=1)  # [B, D]
    return (out, table_new)

if __name__ == "__main__":
    import jax
    _d = setup_inputs()
    print(jax.jit(kernel)(*tuple(_d.values())))

</pallas_src>

<mosaic_0001>
#map = affine_map<(d0, d1) -> (0, 0)>
#map1 = affine_map<(d0, d1) -> (0)>
module attributes {stable_mosaic.version = 14 : i64} {
  func.func @_gather_body(%arg0: i32, %arg1: i32, %arg2: memref<1048576x64xf32, #tpu.memory_space<hbm>>, %arg3: memref<16384xi32, #tpu.memory_space<hbm>>, %arg4: memref<16384x64xf32, #tpu.memory_space<hbm>>, %arg5: memref<128xi32, #tpu.memory_space<vmem>>, %arg6: memref<128x64xf32, #tpu.memory_space<vmem>>, %arg7: memref<!tpu.dma_semaphore, #tpu.memory_space<semaphore_mem>>) attributes {dimension_semantics = [#tpu.dimension_semantics<core_parallel>, #tpu.dimension_semantics<subcore_parallel>], iteration_bounds = array<i64: 2, 16>, scalar_prefetch = 0 : i64, scratch_operands = 3 : i64, tpu.core_type = #tpu.core_type<sc_vector_subcore>, window_params = [{transform_indices = #map}, {transform_indices = #map1}, {transform_indices = #map}]} {
    %mul3A = arith.constant 2 : i32
    %mul3A_0 = arith.muli %arg1, %mul3A : i32
    %add3A = arith.addi %mul3A_0, %arg0 : i32
    %mul3A_1 = arith.constant 4 : i32
    %mul3A_2 = arith.muli %add3A, %mul3A_1 : i32
    %add3A_3 = arith.constant 0 : i32
    %add3A_4 = arith.addi %mul3A_2, %add3A_3 : i32
    %mul3A_5 = arith.constant 128 : i32
    %mul3A_6 = arith.muli %add3A_4, %mul3A_5 : i32
    "tpu.region"() ({
      %run_scoped3A = tpu.sem_alloc : memref<!tpu.dma_semaphore, #tpu.memory_space<semaphore_mem>>
      %dma_start3A_47 = tpu.memref_slice %arg3[%mul3A_6] : memref<16384xi32, #tpu.memory_space<hbm>> -> memref<128xi32, #tpu.memory_space<hbm>>
      %dma_start3A_48 = tpu.memref_slice %arg3[%mul3A_6] : memref<16384xi32, #tpu.memory_space<hbm>> -> memref<128xi32, #tpu.memory_space<hbm>>
      tpu.enqueue_dma source(%dma_start3A_48 : memref<128xi32, #tpu.memory_space<hbm>>) target(%arg5 : memref<128xi32, #tpu.memory_space<vmem>>) target_semaphore(%run_scoped3A : memref<!tpu.dma_semaphore, #tpu.memory_space<semaphore_mem>>)
      %dma_wait3A_49 = tpu.memref_slice %arg3[%mul3A_6] : memref<16384xi32, #tpu.memory_space<hbm>> -> memref<128xi32, #tpu.memory_space<hbm>>
      %dma_wait3A_50 = tpu.memref_slice %arg3[%mul3A_6] : memref<16384xi32, #tpu.memory_space<hbm>> -> memref<128xi32, #tpu.memory_space<hbm>>
      tpu.wait_dma2 semaphore(%run_scoped3A : memref<!tpu.dma_semaphore, #tpu.memory_space<semaphore_mem>>) src(%dma_wait3A_50 : memref<128xi32, #tpu.memory_space<hbm>>) dst(%arg5 : memref<128xi32, #tpu.memory_space<vmem>>)
      tpu.yield
    }) : () -> ()
    %dma_start3A = arith.constant 0 : i32
    %dma_start3A_7 = arith.constant 0 : i32
    %dma_start3A_8 = tpu.memref_slice %arg2[%dma_start3A, %dma_start3A_7] : memref<1048576x64xf32, #tpu.memory_space<hbm>> -> memref<1048576x64xf32, #tpu.memory_space<hbm>>
    tpu.enqueue_indirect_dma source(%dma_start3A_8 : memref<1048576x64xf32, #tpu.memory_space<hbm>>) target(%arg6 : memref<128x64xf32, #tpu.memory_space<vmem>>) offsets(%arg5 : memref<128xi32, #tpu.memory_space<vmem>>) semaphore(%arg7 : memref<!tpu.dma_semaphore, #tpu.memory_space<semaphore_mem>>)
    %dma_wait3A = arith.constant 0 : i32
    %dma_wait3A_9 = arith.constant 0 : i32
    %dma_wait3A_10 = tpu.memref_slice %arg2[%dma_wait3A, %dma_wait3A_9] : memref<1048576x64xf32, #tpu.memory_space<hbm>> -> memref<1048576x64xf32, #tpu.memory_space<hbm>>
    tpu.wait_indirect_dma semaphore(%arg7 : memref<!tpu.dma_semaphore, #tpu.memory_space<semaphore_mem>>) src(%dma_wait3A_10 : memref<1048576x64xf32, #tpu.memory_space<hbm>>) dst(%arg6 : memref<128x64xf32, #tpu.memory_space<vmem>>)
    "tpu.region"() ({
      %run_scoped3A = tpu.sem_alloc : memref<!tpu.dma_semaphore, #tpu.memory_space<semaphore_mem>>
      %dma_start3A_47 = arith.constant 0 : i32
      %dma_start3A_48 = tpu.memref_slice %arg4[%mul3A_6, %dma_start3A_47] : memref<16384x64xf32, #tpu.memory_space<hbm>> -> memref<128x64xf32, #tpu.memory_space<hbm>>
      %dma_start3A_49 = arith.constant 0 : i32
      %dma_start3A_50 = tpu.memref_slice %arg4[%mul3A_6, %dma_start3A_49] : memref<16384x64xf32, #tpu.memory_space<hbm>> -> memref<128x64xf32, #tpu.memory_space<hbm>>
      tpu.enqueue_dma source(%arg6 : memref<128x64xf32, #tpu.memory_space<vmem>>) target(%dma_start3A_50 : memref<128x64xf32, #tpu.memory_space<hbm>>) target_semaphore(%run_scoped3A : memref<!tpu.dma_semaphore, #tpu.memory_space<semaphore_mem>>)
      %dma_wait3A_51 = arith.constant 0 : i32
      %dma_wait3A_52 = tpu.memref_slice %arg4[%mul3A_6, %dma_wait3A_51] : memref<16384x64xf32, #tpu.memory_space<hbm>> -> memref<128x64xf32, #tpu.memory_space<hbm>>
      %dma_wait3A_53 = arith.constant 0 : i32
      %dma_wait3A_54 = tpu.memref_slice %arg4[%mul3A_6, %dma_wait3A_53] : memref<16384x64xf32, #tpu.memory_space<hbm>> -> memref<128x64xf32, #tpu.memory_space<hbm>>
      tpu.wait_dma2 semaphore(%run_scoped3A : memref<!tpu.dma_semaphore, #tpu.memory_space<semaphore_mem>>) src(%arg6 : memref<128x64xf32, #tpu.memory_space<vmem>>) dst(%dma_wait3A_54 : memref<128x64xf32, #tpu.memory_space<hbm>>)
      tpu.yield
    }) : () -> ()
    %mul3A_11 = arith.constant 4 : i32
    %mul3A_12 = arith.muli %add3A, %mul3A_11 : i32
    %add3A_13 = arith.constant 1 : i32
    %add3A_14 = arith.addi %mul3A_12, %add3A_13 : i32
    %mul3A_15 = arith.constant 128 : i32
    %mul3A_16 = arith.muli %add3A_14, %mul3A_15 : i32
    "tpu.region"() ({
      %run_scoped3A = tpu.sem_alloc : memref<!tpu.dma_semaphore, #tpu.memory_space<semaphore_mem>>
      %dma_start3A_47 = tpu.memref_slice %arg3[%mul3A_16] : memref<16384xi32, #tpu.memory_space<hbm>> -> memref<128xi32, #tpu.memory_space<hbm>>
      %dma_start3A_48 = tpu.memref_slice %arg3[%mul3A_16] : memref<16384xi32, #tpu.memory_space<hbm>> -> memref<128xi32, #tpu.memory_space<hbm>>
      tpu.enqueue_dma source(%dma_start3A_48 : memref<128xi32, #tpu.memory_space<hbm>>) target(%arg5 : memref<128xi32, #tpu.memory_space<vmem>>) target_semaphore(%run_scoped3A : memref<!tpu.dma_semaphore, #tpu.memory_space<semaphore_mem>>)
      %dma_wait3A_49 = tpu.memref_slice %arg3[%mul3A_16] : memref<16384xi32, #tpu.memory_space<hbm>> -> memref<128xi32, #tpu.memory_space<hbm>>
      %dma_wait3A_50 = tpu.memref_slice %arg3[%mul3A_16] : memref<16384xi32, #tpu.memory_space<hbm>> -> memref<128xi32, #tpu.memory_space<hbm>>
      tpu.wait_dma2 semaphore(%run_scoped3A : memref<!tpu.dma_semaphore, #tpu.memory_space<semaphore_mem>>) src(%dma_wait3A_50 : memref<128xi32, #tpu.memory_space<hbm>>) dst(%arg5 : memref<128xi32, #tpu.memory_space<vmem>>)
      tpu.yield
    }) : () -> ()
    %dma_start3A_17 = arith.constant 0 : i32
    %dma_start3A_18 = arith.constant 0 : i32
    %dma_start3A_19 = tpu.memref_slice %arg2[%dma_start3A_17, %dma_start3A_18] : memref<1048576x64xf32, #tpu.memory_space<hbm>> -> memref<1048576x64xf32, #tpu.memory_space<hbm>>
    tpu.enqueue_indirect_dma source(%dma_start3A_19 : memref<1048576x64xf32, #tpu.memory_space<hbm>>) target(%arg6 : memref<128x64xf32, #tpu.memory_space<vmem>>) offsets(%arg5 : memref<128xi32, #tpu.memory_space<vmem>>) semaphore(%arg7 : memref<!tpu.dma_semaphore, #tpu.memory_space<semaphore_mem>>)
    %dma_wait3A_20 = arith.constant 0 : i32
    %dma_wait3A_21 = arith.constant 0 : i32
    %dma_wait3A_22 = tpu.memref_slice %arg2[%dma_wait3A_20, %dma_wait3A_21] : memref<1048576x64xf32, #tpu.memory_space<hbm>> -> memref<1048576x64xf32, #tpu.memory_space<hbm>>
    tpu.wait_indirect_dma semaphore(%arg7 : memref<!tpu.dma_semaphore, #tpu.memory_space<semaphore_mem>>) src(%dma_wait3A_22 : memref<1048576x64xf32, #tpu.memory_space<hbm>>) dst(%arg6 : memref<128x64xf32, #tpu.memory_space<vmem>>)
    "tpu.region"() ({
      %run_scoped3A = tpu.sem_alloc : memref<!tpu.dma_semaphore, #tpu.memory_space<semaphore_mem>>
      %dma_start3A_47 = arith.constant 0 : i32
      %dma_start3A_48 = tpu.memref_slice %arg4[%mul3A_16, %dma_start3A_47] : memref<16384x64xf32, #tpu.memory_space<hbm>> -> memref<128x64xf32, #tpu.memory_space<hbm>>
      %dma_start3A_49 = arith.constant 0 : i32
      %dma_start3A_50 = tpu.memref_slice %arg4[%mul3A_16, %dma_start3A_49] : memref<16384x64xf32, #tpu.memory_space<hbm>> -> memref<128x64xf32, #tpu.memory_space<hbm>>
      tpu.enqueue_dma source(%arg6 : memref<128x64xf32, #tpu.memory_space<vmem>>) target(%dma_start3A_50 : memref<128x64xf32, #tpu.memory_space<hbm>>) target_semaphore(%run_scoped3A : memref<!tpu.dma_semaphore, #tpu.memory_space<semaphore_mem>>)
      %dma_wait3A_51 = arith.constant 0 : i32
      %dma_wait3A_52 = tpu.memref_slice %arg4[%mul3A_16, %dma_wait3A_51] : memref<16384x64xf32, #tpu.memory_space<hbm>> -> memref<128x64xf32, #tpu.memory_space<hbm>>
      %dma_wait3A_53 = arith.constant 0 : i32
      %dma_wait3A_54 = tpu.memref_slice %arg4[%mul3A_16, %dma_wait3A_53] : memref<16384x64xf32, #tpu.memory_space<hbm>> -> memref<128x64xf32, #tpu.memory_space<hbm>>
      tpu.wait_dma2 semaphore(%run_scoped3A : memref<!tpu.dma_semaphore, #tpu.memory_space<semaphore_mem>>) src(%arg6 : memref<128x64xf32, #tpu.memory_space<vmem>>) dst(%dma_wait3A_54 : memref<128x64xf32, #tpu.memory_space<hbm>>)
      tpu.yield
    }) : () -> ()
    %mul3A_23 = arith.constant 4 : i32
    %mul3A_24 = arith.muli %add3A, %mul3A_23 : i32
    %add3A_25 = arith.constant 2 : i32
    %add3A_26 = arith.addi %mul3A_24, %add3A_25 : i32
    %mul3A_27 = arith.constant 128 : i32
    %mul3A_28 = arith.muli %add3A_26, %mul3A_27 : i32
    "tpu.region"() ({
      %run_scoped3A = tpu.sem_alloc : memref<!tpu.dma_semaphore, #tpu.memory_space<semaphore_mem>>
      %dma_start3A_47 = tpu.memref_slice %arg3[%mul3A_28] : memref<16384xi32, #tpu.memory_space<hbm>> -> memref<128xi32, #tpu.memory_space<hbm>>
      %dma_start3A_48 = tpu.memref_slice %arg3[%mul3A_28] : memref<16384xi32, #tpu.memory_space<hbm>> -> memref<128xi32, #tpu.memory_space<hbm>>
      tpu.enqueue_dma source(%dma_start3A_48 : memref<128xi32, #tpu.memory_space<hbm>>) target(%arg5 : memref<128xi32, #tpu.memory_space<vmem>>) target_semaphore(%run_scoped3A : memref<!tpu.dma_semaphore, #tpu.memory_space<semaphore_mem>>)
      %dma_wait3A_49 = tpu.memref_slice %arg3[%mul3A_28] : memref<16384xi32, #tpu.memory_space<hbm>> -> memref<128xi32, #tpu.memory_space<hbm>>
      %dma_wait3A_50 = tpu.memref_slice %arg3[%mul3A_28] : memref<16384xi32, #tpu.memory_space<hbm>> -> memref<128xi32, #tpu.memory_space<hbm>>
      tpu.wait_dma2 semaphore(%run_scoped3A : memref<!tpu.dma_semaphore, #tpu.memory_space<semaphore_mem>>) src(%dma_wait3A_50 : memref<128xi32, #tpu.memory_space<hbm>>) dst(%arg5 : memref<128xi32, #tpu.memory_space<vmem>>)
      tpu.yield
    }) : () -> ()
    %dma_start3A_29 = arith.constant 0 : i32
    %dma_start3A_30 = arith.constant 0 : i32
    %dma_start3A_31 = tpu.memref_slice %arg2[%dma_start3A_29, %dma_start3A_30] : memref<1048576x64xf32, #tpu.memory_space<hbm>> -> memref<1048576x64xf32, #tpu.memory_space<hbm>>
    tpu.enqueue_indirect_dma source(%dma_start3A_31 : memref<1048576x64xf32, #tpu.memory_space<hbm>>) target(%arg6 : memref<128x64xf32, #tpu.memory_space<vmem>>) offsets(%arg5 : memref<128xi32, #tpu.memory_space<vmem>>) semaphore(%arg7 : memref<!tpu.dma_semaphore, #tpu.memory_space<semaphore_mem>>)
    %dma_wait3A_32 = arith.constant 0 : i32
    %dma_wait3A_33 = arith.constant 0 : i32
    %dma_wait3A_34 = tpu.memref_slice %arg2[%dma_wait3A_32, %dma_wait3A_33] : memref<1048576x64xf32, #tpu.memory_space<hbm>> -> memref<1048576x64xf32, #tpu.memory_space<hbm>>
    tpu.wait_indirect_dma semaphore(%arg7 : memref<!tpu.dma_semaphore, #tpu.memory_space<semaphore_mem>>) src(%dma_wait3A_34 : memref<1048576x64xf32, #tpu.memory_space<hbm>>) dst(%arg6 : memref<128x64xf32, #tpu.memory_space<vmem>>)
    "tpu.region"() ({
      %run_scoped3A = tpu.sem_alloc : memref<!tpu.dma_semaphore, #tpu.memory_space<semaphore_mem>>
      %dma_start3A_47 = arith.constant 0 : i32
      %dma_start3A_48 = tpu.memref_slice %arg4[%mul3A_28, %dma_start3A_47] : memref<16384x64xf32, #tpu.memory_space<hbm>> -> memref<128x64xf32, #tpu.memory_space<hbm>>
      %dma_start3A_49 = arith.constant 0 : i32
      %dma_start3A_50 = tpu.memref_slice %arg4[%mul3A_28, %dma_start3A_49] : memref<16384x64xf32, #tpu.memory_space<hbm>> -> memref<128x64xf32, #tpu.memory_space<hbm>>
      tpu.enqueue_dma source(%arg6 : memref<128x64xf32, #tpu.memory_space<vmem>>) target(%dma_start3A_50 : memref<128x64xf32, #tpu.memory_space<hbm>>) target_semaphore(%run_scoped3A : memref<!tpu.dma_semaphore, #tpu.memory_space<semaphore_mem>>)
      %dma_wait3A_51 = arith.constant 0 : i32
      %dma_wait3A_52 = tpu.memref_slice %arg4[%mul3A_28, %dma_wait3A_51] : memref<16384x64xf32, #tpu.memory_space<hbm>> -> memref<128x64xf32, #tpu.memory_space<hbm>>
      %dma_wait3A_53 = arith.constant 0 : i32
      %dma_wait3A_54 = tpu.memref_slice %arg4[%mul3A_28, %dma_wait3A_53] : memref<16384x64xf32, #tpu.memory_space<hbm>> -> memref<128x64xf32, #tpu.memory_space<hbm>>
      tpu.wait_dma2 semaphore(%run_scoped3A : memref<!tpu.dma_semaphore, #tpu.memory_space<semaphore_mem>>) src(%arg6 : memref<128x64xf32, #tpu.memory_space<vmem>>) dst(%dma_wait3A_54 : memref<128x64xf32, #tpu.memory_space<hbm>>)
      tpu.yield
    }) : () -> ()
    %mul3A_35 = arith.constant 4 : i32
    %mul3A_36 = arith.muli %add3A, %mul3A_35 : i32
    %add3A_37 = arith.constant 3 : i32
    %add3A_38 = arith.addi %mul3A_36, %add3A_37 : i32
    %mul3A_39 = arith.constant 128 : i32
    %mul3A_40 = arith.muli %add3A_38, %mul3A_39 : i32
    "tpu.region"() ({
      %run_scoped3A = tpu.sem_alloc : memref<!tpu.dma_semaphore, #tpu.memory_space<semaphore_mem>>
      %dma_start3A_47 = tpu.memref_slice %arg3[%mul3A_40] : memref<16384xi32, #tpu.memory_space<hbm>> -> memref<128xi32, #tpu.memory_space<hbm>>
      %dma_start3A_48 = tpu.memref_slice %arg3[%mul3A_40] : memref<16384xi32, #tpu.memory_space<hbm>> -> memref<128xi32, #tpu.memory_space<hbm>>
      tpu.enqueue_dma source(%dma_start3A_48 : memref<128xi32, #tpu.memory_space<hbm>>) target(%arg5 : memref<128xi32, #tpu.memory_space<vmem>>) target_semaphore(%run_scoped3A : memref<!tpu.dma_semaphore, #tpu.memory_space<semaphore_mem>>)
      %dma_wait3A_49 = tpu.memref_slice %arg3[%mul3A_40] : memref<16384xi32, #tpu.memory_space<hbm>> -> memref<128xi32, #tpu.memory_space<hbm>>
      %dma_wait3A_50 = tpu.memref_slice %arg3[%mul3A_40] : memref<16384xi32, #tpu.memory_space<hbm>> -> memref<128xi32, #tpu.memory_space<hbm>>
      tpu.wait_dma2 semaphore(%run_scoped3A : memref<!tpu.dma_semaphore, #tpu.memory_space<semaphore_mem>>) src(%dma_wait3A_50 : memref<128xi32, #tpu.memory_space<hbm>>) dst(%arg5 : memref<128xi32, #tpu.memory_space<vmem>>)
      tpu.yield
    }) : () -> ()
    %dma_start3A_41 = arith.constant 0 : i32
    %dma_start3A_42 = arith.constant 0 : i32
    %dma_start3A_43 = tpu.memref_slice %arg2[%dma_start3A_41, %dma_start3A_42] : memref<1048576x64xf32, #tpu.memory_space<hbm>> -> memref<1048576x64xf32, #tpu.memory_space<hbm>>
    tpu.enqueue_indirect_dma source(%dma_start3A_43 : memref<1048576x64xf32, #tpu.memory_space<hbm>>) target(%arg6 : memref<128x64xf32, #tpu.memory_space<vmem>>) offsets(%arg5 : memref<128xi32, #tpu.memory_space<vmem>>) semaphore(%arg7 : memref<!tpu.dma_semaphore, #tpu.memory_space<semaphore_mem>>)
    %dma_wait3A_44 = arith.constant 0 : i32
    %dma_wait3A_45 = arith.constant 0 : i32
    %dma_wait3A_46 = tpu.memref_slice %arg2[%dma_wait3A_44, %dma_wait3A_45] : memref<1048576x64xf32, #tpu.memory_space<hbm>> -> memref<1048576x64xf32, #tpu.memory_space<hbm>>
    tpu.wait_indirect_dma semaphore(%arg7 : memref<!tpu.dma_semaphore, #tpu.memory_space<semaphore_mem>>) src(%dma_wait3A_46 : memref<1048576x64xf32, #tpu.memory_space<hbm>>) dst(%arg6 : memref<128x64xf32, #tpu.memory_space<vmem>>)
    "tpu.region"() ({
      %run_scoped3A = tpu.sem_alloc : memref<!tpu.dma_semaphore, #tpu.memory_space<semaphore_mem>>
      %dma_start3A_47 = arith.constant 0 : i32
      %dma_start3A_48 = tpu.memref_slice %arg4[%mul3A_40, %dma_start3A_47] : memref<16384x64xf32, #tpu.memory_space<hbm>> -> memref<128x64xf32, #tpu.memory_space<hbm>>
      %dma_start3A_49 = arith.constant 0 : i32
      %dma_start3A_50 = tpu.memref_slice %arg4[%mul3A_40, %dma_start3A_49] : memref<16384x64xf32, #tpu.memory_space<hbm>> -> memref<128x64xf32, #tpu.memory_space<hbm>>
      tpu.enqueue_dma source(%arg6 : memref<128x64xf32, #tpu.memory_space<vmem>>) target(%dma_start3A_50 : memref<128x64xf32, #tpu.memory_space<hbm>>) target_semaphore(%run_scoped3A : memref<!tpu.dma_semaphore, #tpu.memory_space<semaphore_mem>>)
      %dma_wait3A_51 = arith.constant 0 : i32
      %dma_wait3A_52 = tpu.memref_slice %arg4[%mul3A_40, %dma_wait3A_51] : memref<16384x64xf32, #tpu.memory_space<hbm>> -> memref<128x64xf32, #tpu.memory_space<hbm>>
      %dma_wait3A_53 = arith.constant 0 : i32
      %dma_wait3A_54 = tpu.memref_slice %arg4[%mul3A_40, %dma_wait3A_53] : memref<16384x64xf32, #tpu.memory_space<hbm>> -> memref<128x64xf32, #tpu.memory_space<hbm>>
      tpu.wait_dma2 semaphore(%run_scoped3A : memref<!tpu.dma_semaphore, #tpu.memory_space<semaphore_mem>>) src(%arg6 : memref<128x64xf32, #tpu.memory_space<vmem>>) dst(%dma_wait3A_54 : memref<128x64xf32, #tpu.memory_space<hbm>>)
      tpu.yield
    }) : () -> ()
    return
  }
}

#map = affine_map<(d0, d1) -> (0, 0)>
#map1 = affine_map<(d0, d1) -> (0)>
module attributes {stable_mosaic.version = 14 : i64} {
  func.func @new_body(%arg0: i32, %arg1: i32, %arg2: memref<16384x64xf32, #tpu.memory_space<hbm>>, %arg3: memref<16384xi32, #tpu.memory_space<hbm>>, %arg4: memref<16384xi32, #tpu.memory_space<hbm>>, %arg5: memref<1048576x64xf32, #tpu.memory_space<hbm>>, %arg6: memref<1048576x64xf32, #tpu.memory_space<hbm>>, %arg7: memref<128xi32, #tpu.memory_space<vmem>>, %arg8: memref<128xi32, #tpu.memory_space<vmem>>, %arg9: memref<128x64xf32, #tpu.memory_space<vmem>>, %arg10: memref<!tpu.dma_semaphore, #tpu.memory_space<semaphore_mem>>) attributes {dimension_semantics = [#tpu.dimension_semantics<core_parallel>, #tpu.dimension_semantics<subcore_parallel>], iteration_bounds = array<i64: 2, 16>, scalar_prefetch = 0 : i64, scratch_operands = 4 : i64, tpu.core_type = #tpu.core_type<sc_vector_subcore>, window_params = [{transform_indices = #map}, {transform_indices = #map1}, {transform_indices = #map1}, {transform_indices = #map}, {transform_indices = #map}]} {
    %mul3A = arith.constant 2 : i32
    %mul3A_0 = arith.muli %arg1, %mul3A : i32
    %add3A = arith.addi %mul3A_0, %arg0 : i32
    %mul3A_1 = arith.constant 4 : i32
    %mul3A_2 = arith.muli %add3A, %mul3A_1 : i32
    %add3A_3 = arith.constant 0 : i32
    %add3A_4 = arith.addi %mul3A_2, %add3A_3 : i32
    %mul3A_5 = arith.constant 128 : i32
    %mul3A_6 = arith.muli %add3A_4, %mul3A_5 : i32
    "tpu.region"() ({
      %run_scoped3A = tpu.sem_alloc : memref<!tpu.dma_semaphore, #tpu.memory_space<semaphore_mem>>
      %dma_start3A_71 = tpu.memref_slice %arg3[%mul3A_6] : memref<16384xi32, #tpu.memory_space<hbm>> -> memref<128xi32, #tpu.memory_space<hbm>>
      %dma_start3A_72 = tpu.memref_slice %arg3[%mul3A_6] : memref<16384xi32, #tpu.memory_space<hbm>> -> memref<128xi32, #tpu.memory_space<hbm>>
      tpu.enqueue_dma source(%dma_start3A_72 : memref<128xi32, #tpu.memory_space<hbm>>) target(%arg7 : memref<128xi32, #tpu.memory_space<vmem>>) target_semaphore(%run_scoped3A : memref<!tpu.dma_semaphore, #tpu.memory_space<semaphore_mem>>)
      %dma_wait3A_73 = tpu.memref_slice %arg3[%mul3A_6] : memref<16384xi32, #tpu.memory_space<hbm>> -> memref<128xi32, #tpu.memory_space<hbm>>
      %dma_wait3A_74 = tpu.memref_slice %arg3[%mul3A_6] : memref<16384xi32, #tpu.memory_space<hbm>> -> memref<128xi32, #tpu.memory_space<hbm>>
      tpu.wait_dma2 semaphore(%run_scoped3A : memref<!tpu.dma_semaphore, #tpu.memory_space<semaphore_mem>>) src(%dma_wait3A_74 : memref<128xi32, #tpu.memory_space<hbm>>) dst(%arg7 : memref<128xi32, #tpu.memory_space<vmem>>)
      tpu.yield
    }) : () -> ()
    "tpu.region"() ({
      %run_scoped3A = tpu.sem_alloc : memref<!tpu.dma_semaphore, #tpu.memory_space<semaphore_mem>>
      %dma_start3A_71 = tpu.memref_slice %arg4[%mul3A_6] : memref<16384xi32, #tpu.memory_space<hbm>> -> memref<128xi32, #tpu.memory_space<hbm>>
      %dma_start3A_72 = tpu.memref_slice %arg4[%mul3A_6] : memref<16384xi32, #tpu.memory_space<hbm>> -> memref<128xi32, #tpu.memory_space<hbm>>
      tpu.enqueue_dma source(%dma_start3A_72 : memref<128xi32, #tpu.memory_space<hbm>>) target(%arg8 : memref<128xi32, #tpu.memory_space<vmem>>) target_semaphore(%run_scoped3A : memref<!tpu.dma_semaphore, #tpu.memory_space<semaphore_mem>>)
      %dma_wait3A_73 = tpu.memref_slice %arg4[%mul3A_6] : memref<16384xi32, #tpu.memory_space<hbm>> -> memref<128xi32, #tpu.memory_space<hbm>>
      %dma_wait3A_74 = tpu.memref_slice %arg4[%mul3A_6] : memref<16384xi32, #tpu.memory_space<hbm>> -> memref<128xi32, #tpu.memory_space<hbm>>
      tpu.wait_dma2 semaphore(%run_scoped3A : memref<!tpu.dma_semaphore, #tpu.memory_space<semaphore_mem>>) src(%dma_wait3A_74 : memref<128xi32, #tpu.memory_space<hbm>>) dst(%arg8 : memref<128xi32, #tpu.memory_space<vmem>>)
      tpu.yield
    }) : () -> ()
    %dma_start3A = arith.constant 0 : i32
    %dma_start3A_7 = arith.constant 0 : i32
    %dma_start3A_8 = tpu.memref_slice %arg2[%dma_start3A, %dma_start3A_7] : memref<16384x64xf32, #tpu.memory_space<hbm>> -> memref<16384x64xf32, #tpu.memory_space<hbm>>
    tpu.enqueue_indirect_dma source(%dma_start3A_8 : memref<16384x64xf32, #tpu.memory_space<hbm>>) target(%arg9 : memref<128x64xf32, #tpu.memory_space<vmem>>) offsets(%arg8 : memref<128xi32, #tpu.memory_space<vmem>>) semaphore(%arg10 : memref<!tpu.dma_semaphore, #tpu.memory_space<semaphore_mem>>)
    %dma_wait3A = arith.constant 0 : i32
    %dma_wait3A_9 = arith.constant 0 : i32
    %dma_wait3A_10 = tpu.memref_slice %arg2[%dma_wait3A, %dma_wait3A_9] : memref<16384x64xf32, #tpu.memory_space<hbm>> -> memref<16384x64xf32, #tpu.memory_space<hbm>>
    tpu.wait_indirect_dma semaphore(%arg10 : memref<!tpu.dma_semaphore, #tpu.memory_space<semaphore_mem>>) src(%dma_wait3A_10 : memref<16384x64xf32, #tpu.memory_space<hbm>>) dst(%arg9 : memref<128x64xf32, #tpu.memory_space<vmem>>)
    %dma_start3A_11 = arith.constant 0 : i32
    %dma_start3A_12 = arith.constant 0 : i32
    %dma_start3A_13 = tpu.memref_slice %arg5[%dma_start3A_11, %dma_start3A_12] : memref<1048576x64xf32, #tpu.memory_space<hbm>> -> memref<1048576x64xf32, #tpu.memory_space<hbm>>
    tpu.enqueue_indirect_dma source(%arg9 : memref<128x64xf32, #tpu.memory_space<vmem>>) target(%dma_start3A_13 : memref<1048576x64xf32, #tpu.memory_space<hbm>>) offsets(%arg7 : memref<128xi32, #tpu.memory_space<vmem>>) semaphore(%arg10 : memref<!tpu.dma_semaphore, #tpu.memory_space<semaphore_mem>>)
    %dma_wait3A_14 = arith.constant 0 : i32
    %dma_wait3A_15 = arith.constant 0 : i32
    %dma_wait3A_16 = tpu.memref_slice %arg5[%dma_wait3A_14, %dma_wait3A_15] : memref<1048576x64xf32, #tpu.memory_space<hbm>> -> memref<1048576x64xf32, #tpu.memory_space<hbm>>
    tpu.wait_indirect_dma semaphore(%arg10 : memref<!tpu.dma_semaphore, #tpu.memory_space<semaphore_mem>>) src(%arg9 : memref<128x64xf32, #tpu.memory_space<vmem>>) dst(%dma_wait3A_16 : memref<1048576x64xf32, #tpu.memory_space<hbm>>)
    %mul3A_17 = arith.constant 4 : i32
    %mul3A_18 = arith.muli %add3A, %mul3A_17 : i32
    %add3A_19 = arith.constant 1 : i32
    %add3A_20 = arith.addi %mul3A_18, %add3A_19 : i32
    %mul3A_21 = arith.constant 128 : i32
    %mul3A_22 = arith.muli %add3A_20, %mul3A_21 : i32
    "tpu.region"() ({
      %run_scoped3A = tpu.sem_alloc : memref<!tpu.dma_semaphore, #tpu.memory_space<semaphore_mem>>
      %dma_start3A_71 = tpu.memref_slice %arg3[%mul3A_22] : memref<16384xi32, #tpu.memory_space<hbm>> -> memref<128xi32, #tpu.memory_space<hbm>>
      %dma_start3A_72 = tpu.memref_slice %arg3[%mul3A_22] : memref<16384xi32, #tpu.memory_space<hbm>> -> memref<128xi32, #tpu.memory_space<hbm>>
      tpu.enqueue_dma source(%dma_start3A_72 : memref<128xi32, #tpu.memory_space<hbm>>) target(%arg7 : memref<128xi32, #tpu.memory_space<vmem>>) target_semaphore(%run_scoped3A : memref<!tpu.dma_semaphore, #tpu.memory_space<semaphore_mem>>)
      %dma_wait3A_73 = tpu.memref_slice %arg3[%mul3A_22] : memref<16384xi32, #tpu.memory_space<hbm>> -> memref<128xi32, #tpu.memory_space<hbm>>
      %dma_wait3A_74 = tpu.memref_slice %arg3[%mul3A_22] : memref<16384xi32, #tpu.memory_space<hbm>> -> memref<128xi32, #tpu.memory_space<hbm>>
      tpu.wait_dma2 semaphore(%run_scoped3A : memref<!tpu.dma_semaphore, #tpu.memory_space<semaphore_mem>>) src(%dma_wait3A_74 : memref<128xi32, #tpu.memory_space<hbm>>) dst(%arg7 : memref<128xi32, #tpu.memory_space<vmem>>)
      tpu.yield
    }) : () -> ()
    "tpu.region"() ({
      %run_scoped3A = tpu.sem_alloc : memref<!tpu.dma_semaphore, #tpu.memory_space<semaphore_mem>>
      %dma_start3A_71 = tpu.memref_slice %arg4[%mul3A_22] : memref<16384xi32, #tpu.memory_space<hbm>> -> memref<128xi32, #tpu.memory_space<hbm>>
      %dma_start3A_72 = tpu.memref_slice %arg4[%mul3A_22] : memref<16384xi32, #tpu.memory_space<hbm>> -> memref<128xi32, #tpu.memory_space<hbm>>
      tpu.enqueue_dma source(%dma_start3A_72 : memref<128xi32, #tpu.memory_space<hbm>>) target(%arg8 : memref<128xi32, #tpu.memory_space<vmem>>) target_semaphore(%run_scoped3A : memref<!tpu.dma_semaphore, #tpu.memory_space<semaphore_mem>>)
      %dma_wait3A_73 = tpu.memref_slice %arg4[%mul3A_22] : memref<16384xi32, #tpu.memory_space<hbm>> -> memref<128xi32, #tpu.memory_space<hbm>>
      %dma_wait3A_74 = tpu.memref_slice %arg4[%mul3A_22] : memref<16384xi32, #tpu.memory_space<hbm>> -> memref<128xi32, #tpu.memory_space<hbm>>
      tpu.wait_dma2 semaphore(%run_scoped3A : memref<!tpu.dma_semaphore, #tpu.memory_space<semaphore_mem>>) src(%dma_wait3A_74 : memref<128xi32, #tpu.memory_space<hbm>>) dst(%arg8 : memref<128xi32, #tpu.memory_space<vmem>>)
      tpu.yield
    }) : () -> ()
    %dma_start3A_23 = arith.constant 0 : i32
    %dma_start3A_24 = arith.constant 0 : i32
    %dma_start3A_25 = tpu.memref_slice %arg2[%dma_start3A_23, %dma_start3A_24] : memref<16384x64xf32, #tpu.memory_space<hbm>> -> memref<16384x64xf32, #tpu.memory_space<hbm>>
    tpu.enqueue_indirect_dma source(%dma_start3A_25 : memref<16384x64xf32, #tpu.memory_space<hbm>>) target(%arg9 : memref<128x64xf32, #tpu.memory_space<vmem>>) offsets(%arg8 : memref<128xi32, #tpu.memory_space<vmem>>) semaphore(%arg10 : memref<!tpu.dma_semaphore, #tpu.memory_space<semaphore_mem>>)
    %dma_wait3A_26 = arith.constant 0 : i32
    %dma_wait3A_27 = arith.constant 0 : i32
    %dma_wait3A_28 = tpu.memref_slice %arg2[%dma_wait3A_26, %dma_wait3A_27] : memref<16384x64xf32, #tpu.memory_space<hbm>> -> memref<16384x64xf32, #tpu.memory_space<hbm>>
    tpu.wait_indirect_dma semaphore(%arg10 : memref<!tpu.dma_semaphore, #tpu.memory_space<semaphore_mem>>) src(%dma_wait3A_28 : memref<16384x64xf32, #tpu.memory_space<hbm>>) dst(%arg9 : memref<128x64xf32, #tpu.memory_space<vmem>>)
    %dma_start3A_29 = arith.constant 0 : i32
    %dma_start3A_30 = arith.constant 0 : i32
    %dma_start3A_31 = tpu.memref_slice %arg5[%dma_start3A_29, %dma_start3A_30] : memref<1048576x64xf32, #tpu.memory_space<hbm>> -> memref<1048576x64xf32, #tpu.memory_space<hbm>>
    tpu.enqueue_indirect_dma source(%arg9 : memref<128x64xf32, #tpu.memory_space<vmem>>) target(%dma_start3A_31 : memref<1048576x64xf32, #tpu.memory_space<hbm>>) offsets(%arg7 : memref<128xi32, #tpu.memory_space<vmem>>) semaphore(%arg10 : memref<!tpu.dma_semaphore, #tpu.memory_space<semaphore_mem>>)
    %dma_wait3A_32 = arith.constant 0 : i32
    %dma_wait3A_33 = arith.constant 0 : i32
    %dma_wait3A_34 = tpu.memref_slice %arg5[%dma_wait3A_32, %dma_wait3A_33] : memref<1048576x64xf32, #tpu.memory_space<hbm>> -> memref<1048576x64xf32, #tpu.memory_space<hbm>>
    tpu.wait_indirect_dma semaphore(%arg10 : memref<!tpu.dma_semaphore, #tpu.memory_space<semaphore_mem>>) src(%arg9 : memref<128x64xf32, #tpu.memory_space<vmem>>) dst(%dma_wait3A_34 : memref<1048576x64xf32, #tpu.memory_space<hbm>>)
    %mul3A_35 = arith.constant 4 : i32
    %mul3A_36 = arith.muli %add3A, %mul3A_35 : i32
    %add3A_37 = arith.constant 2 : i32
    %add3A_38 = arith.addi %mul3A_36, %add3A_37 : i32
    %mul3A_39 = arith.constant 128 : i32
    %mul3A_40 = arith.muli %add3A_38, %mul3A_39 : i32
    "tpu.region"() ({
      %run_scoped3A = tpu.sem_alloc : memref<!tpu.dma_semaphore, #tpu.memory_space<semaphore_mem>>
      %dma_start3A_71 = tpu.memref_slice %arg3[%mul3A_40] : memref<16384xi32, #tpu.memory_space<hbm>> -> memref<128xi32, #tpu.memory_space<hbm>>
      %dma_start3A_72 = tpu.memref_slice %arg3[%mul3A_40] : memref<16384xi32, #tpu.memory_space<hbm>> -> memref<128xi32, #tpu.memory_space<hbm>>
      tpu.enqueue_dma source(%dma_start3A_72 : memref<128xi32, #tpu.memory_space<hbm>>) target(%arg7 : memref<128xi32, #tpu.memory_space<vmem>>) target_semaphore(%run_scoped3A : memref<!tpu.dma_semaphore, #tpu.memory_space<semaphore_mem>>)
      %dma_wait3A_73 = tpu.memref_slice %arg3[%mul3A_40] : memref<16384xi32, #tpu.memory_space<hbm>> -> memref<128xi32, #tpu.memory_space<hbm>>
      %dma_wait3A_74 = tpu.memref_slice %arg3[%mul3A_40] : memref<16384xi32, #tpu.memory_space<hbm>> -> memref<128xi32, #tpu.memory_space<hbm>>
      tpu.wait_dma2 semaphore(%run_scoped3A : memref<!tpu.dma_semaphore, #tpu.memory_space<semaphore_mem>>) src(%dma_wait3A_74 : memref<128xi32, #tpu.memory_space<hbm>>) dst(%arg7 : memref<128xi32, #tpu.memory_space<vmem>>)
      tpu.yield
    }) : () -> ()
    "tpu.region"() ({
      %run_scoped3A = tpu.sem_alloc : memref<!tpu.dma_semaphore, #tpu.memory_space<semaphore_mem>>
      %dma_start3A_71 = tpu.memref_slice %arg4[%mul3A_40] : memref<16384xi32, #tpu.memory_space<hbm>> -> memref<128xi32, #tpu.memory_space<hbm>>
      %dma_start3A_72 = tpu.memref_slice %arg4[%mul3A_40] : memref<16384xi32, #tpu.memory_space<hbm>> -> memref<128xi32, #tpu.memory_space<hbm>>
      tpu.enqueue_dma source(%dma_start3A_72 : memref<128xi32, #tpu.memory_space<hbm>>) target(%arg8 : memref<128xi32, #tpu.memory_space<vmem>>) target_semaphore(%run_scoped3A : memref<!tpu.dma_semaphore, #tpu.memory_space<semaphore_mem>>)
      %dma_wait3A_73 = tpu.memref_slice %arg4[%mul3A_40] : memref<16384xi32, #tpu.memory_space<hbm>> -> memref<128xi32, #tpu.memory_space<hbm>>
      %dma_wait3A_74 = tpu.memref_slice %arg4[%mul3A_40] : memref<16384xi32, #tpu.memory_space<hbm>> -> memref<128xi32, #tpu.memory_space<hbm>>
      tpu.wait_dma2 semaphore(%run_scoped3A : memref<!tpu.dma_semaphore, #tpu.memory_space<semaphore_mem>>) src(%dma_wait3A_74 : memref<128xi32, #tpu.memory_space<hbm>>) dst(%arg8 : memref<128xi32, #tpu.memory_space<vmem>>)
      tpu.yield
    }) : () -> ()
    %dma_start3A_41 = arith.constant 0 : i32
    %dma_start3A_42 = arith.constant 0 : i32
    %dma_start3A_43 = tpu.memref_slice %arg2[%dma_start3A_41, %dma_start3A_42] : memref<16384x64xf32, #tpu.memory_space<hbm>> -> memref<16384x64xf32, #tpu.memory_space<hbm>>
    tpu.enqueue_indirect_dma source(%dma_start3A_43 : memref<16384x64xf32, #tpu.memory_space<hbm>>) target(%arg9 : memref<128x64xf32, #tpu.memory_space<vmem>>) offsets(%arg8 : memref<128xi32, #tpu.memory_space<vmem>>) semaphore(%arg10 : memref<!tpu.dma_semaphore, #tpu.memory_space<semaphore_mem>>)
    %dma_wait3A_44 = arith.constant 0 : i32
    %dma_wait3A_45 = arith.constant 0 : i32
    %dma_wait3A_46 = tpu.memref_slice %arg2[%dma_wait3A_44, %dma_wait3A_45] : memref<16384x64xf32, #tpu.memory_space<hbm>> -> memref<16384x64xf32, #tpu.memory_space<hbm>>
    tpu.wait_indirect_dma semaphore(%arg10 : memref<!tpu.dma_semaphore, #tpu.memory_space<semaphore_mem>>) src(%dma_wait3A_46 : memref<16384x64xf32, #tpu.memory_space<hbm>>) dst(%arg9 : memref<128x64xf32, #tpu.memory_space<vmem>>)
    %dma_start3A_47 = arith.constant 0 : i32
    %dma_start3A_48 = arith.constant 0 : i32
    %dma_start3A_49 = tpu.memref_slice %arg5[%dma_start3A_47, %dma_start3A_48] : memref<1048576x64xf32, #tpu.memory_space<hbm>> -> memref<1048576x64xf32, #tpu.memory_space<hbm>>
    tpu.enqueue_indirect_dma source(%arg9 : memref<128x64xf32, #tpu.memory_space<vmem>>) target(%dma_start3A_49 : memref<1048576x64xf32, #tpu.memory_space<hbm>>) offsets(%arg7 : memref<128xi32, #tpu.memory_space<vmem>>) semaphore(%arg10 : memref<!tpu.dma_semaphore, #tpu.memory_space<semaphore_mem>>)
    %dma_wait3A_50 = arith.constant 0 : i32
    %dma_wait3A_51 = arith.constant 0 : i32
    %dma_wait3A_52 = tpu.memref_slice %arg5[%dma_wait3A_50, %dma_wait3A_51] : memref<1048576x64xf32, #tpu.memory_space<hbm>> -> memref<1048576x64xf32, #tpu.memory_space<hbm>>
    tpu.wait_indirect_dma semaphore(%arg10 : memref<!tpu.dma_semaphore, #tpu.memory_space<semaphore_mem>>) src(%arg9 : memref<128x64xf32, #tpu.memory_space<vmem>>) dst(%dma_wait3A_52 : memref<1048576x64xf32, #tpu.memory_space<hbm>>)
    %mul3A_53 = arith.constant 4 : i32
    %mul3A_54 = arith.muli %add3A, %mul3A_53 : i32
    %add3A_55 = arith.constant 3 : i32
    %add3A_56 = arith.addi %mul3A_54, %add3A_55 : i32
    %mul3A_57 = arith.constant 128 : i32
    %mul3A_58 = arith.muli %add3A_56, %mul3A_57 : i32
    "tpu.region"() ({
      %run_scoped3A = tpu.sem_alloc : memref<!tpu.dma_semaphore, #tpu.memory_space<semaphore_mem>>
      %dma_start3A_71 = tpu.memref_slice %arg3[%mul3A_58] : memref<16384xi32, #tpu.memory_space<hbm>> -> memref<128xi32, #tpu.memory_space<hbm>>
      %dma_start3A_72 = tpu.memref_slice %arg3[%mul3A_58] : memref<16384xi32, #tpu.memory_space<hbm>> -> memref<128xi32, #tpu.memory_space<hbm>>
      tpu.enqueue_dma source(%dma_start3A_72 : memref<128xi32, #tpu.memory_space<hbm>>) target(%arg7 : memref<128xi32, #tpu.memory_space<vmem>>) target_semaphore(%run_scoped3A : memref<!tpu.dma_semaphore, #tpu.memory_space<semaphore_mem>>)
      %dma_wait3A_73 = tpu.memref_slice %arg3[%mul3A_58] : memref<16384xi32, #tpu.memory_space<hbm>> -> memref<128xi32, #tpu.memory_space<hbm>>
      %dma_wait3A_74 = tpu.memref_slice %arg3[%mul3A_58] : memref<16384xi32, #tpu.memory_space<hbm>> -> memref<128xi32, #tpu.memory_space<hbm>>
      tpu.wait_dma2 semaphore(%run_scoped3A : memref<!tpu.dma_semaphore, #tpu.memory_space<semaphore_mem>>) src(%dma_wait3A_74 : memref<128xi32, #tpu.memory_space<hbm>>) dst(%arg7 : memref<128xi32, #tpu.memory_space<vmem>>)
      tpu.yield
    }) : () -> ()
    "tpu.region"() ({
      %run_scoped3A = tpu.sem_alloc : memref<!tpu.dma_semaphore, #tpu.memory_space<semaphore_mem>>
      %dma_start3A_71 = tpu.memref_slice %arg4[%mul3A_58] : memref<16384xi32, #tpu.memory_space<hbm>> -> memref<128xi32, #tpu.memory_space<hbm>>
      %dma_start3A_72 = tpu.memref_slice %arg4[%mul3A_58] : memref<16384xi32, #tpu.memory_space<hbm>> -> memref<128xi32, #tpu.memory_space<hbm>>
      tpu.enqueue_dma source(%dma_start3A_72 : memref<128xi32, #tpu.memory_space<hbm>>) target(%arg8 : memref<128xi32, #tpu.memory_space<vmem>>) target_semaphore(%run_scoped3A : memref<!tpu.dma_semaphore, #tpu.memory_space<semaphore_mem>>)
      %dma_wait3A_73 = tpu.memref_slice %arg4[%mul3A_58] : memref<16384xi32, #tpu.memory_space<hbm>> -> memref<128xi32, #tpu.memory_space<hbm>>
      %dma_wait3A_74 = tpu.memref_slice %arg4[%mul3A_58] : memref<16384xi32, #tpu.memory_space<hbm>> -> memref<128xi32, #tpu.memory_space<hbm>>
      tpu.wait_dma2 semaphore(%run_scoped3A : memref<!tpu.dma_semaphore, #tpu.memory_space<semaphore_mem>>) src(%dma_wait3A_74 : memref<128xi32, #tpu.memory_space<hbm>>) dst(%arg8 : memref<128xi32, #tpu.memory_space<vmem>>)
      tpu.yield
    }) : () -> ()
    %dma_start3A_59 = arith.constant 0 : i32
    %dma_start3A_60 = arith.constant 0 : i32
    %dma_start3A_61 = tpu.memref_slice %arg2[%dma_start3A_59, %dma_start3A_60] : memref<16384x64xf32, #tpu.memory_space<hbm>> -> memref<16384x64xf32, #tpu.memory_space<hbm>>
    tpu.enqueue_indirect_dma source(%dma_start3A_61 : memref<16384x64xf32, #tpu.memory_space<hbm>>) target(%arg9 : memref<128x64xf32, #tpu.memory_space<vmem>>) offsets(%arg8 : memref<128xi32, #tpu.memory_space<vmem>>) semaphore(%arg10 : memref<!tpu.dma_semaphore, #tpu.memory_space<semaphore_mem>>)
    %dma_wait3A_62 = arith.constant 0 : i32
    %dma_wait3A_63 = arith.constant 0 : i32
    %dma_wait3A_64 = tpu.memref_slice %arg2[%dma_wait3A_62, %dma_wait3A_63] : memref<16384x64xf32, #tpu.memory_space<hbm>> -> memref<16384x64xf32, #tpu.memory_space<hbm>>
    tpu.wait_indirect_dma semaphore(%arg10 : memref<!tpu.dma_semaphore, #tpu.memory_space<semaphore_mem>>) src(%dma_wait3A_64 : memref<16384x64xf32, #tpu.memory_space<hbm>>) dst(%arg9 : memref<128x64xf32, #tpu.memory_space<vmem>>)
    %dma_start3A_65 = arith.constant 0 : i32
    %dma_start3A_66 = arith.constant 0 : i32
    %dma_start3A_67 = tpu.memref_slice %arg5[%dma_start3A_65, %dma_start3A_66] : memref<1048576x64xf32, #tpu.memory_space<hbm>> -> memref<1048576x64xf32, #tpu.memory_space<hbm>>
    tpu.enqueue_indirect_dma source(%arg9 : memref<128x64xf32, #tpu.memory_space<vmem>>) target(%dma_start3A_67 : memref<1048576x64xf32, #tpu.memory_space<hbm>>) offsets(%arg7 : memref<128xi32, #tpu.memory_space<vmem>>) semaphore(%arg10 : memref<!tpu.dma_semaphore, #tpu.memory_space<semaphore_mem>>)
    %dma_wait3A_68 = arith.constant 0 : i32
    %dma_wait3A_69 = arith.constant 0 : i32
    %dma_wait3A_70 = tpu.memref_slice %arg5[%dma_wait3A_68, %dma_wait3A_69] : memref<1048576x64xf32, #tpu.memory_space<hbm>> -> memref<1048576x64xf32, #tpu.memory_space<hbm>>
    tpu.wait_indirect_dma semaphore(%arg10 : memref<!tpu.dma_semaphore, #tpu.memory_space<semaphore_mem>>) src(%arg9 : memref<128x64xf32, #tpu.memory_space<vmem>>) dst(%dma_wait3A_70 : memref<1048576x64xf32, #tpu.memory_space<hbm>>)
    return
  }
}

module attributes {stable_mosaic.version = 14 : i64} {
  func.func @_cin_body(%arg0: i32, %arg1: memref<64x8192xf32, #tpu.memory_space<vmem>>, %arg2: memref<64x8192xf32, #tpu.memory_space<vmem>>, %arg3: memref<8192x128xf32, #tpu.memory_space<vmem>>) attributes {dimension_semantics = [#tpu.dimension_semantics<arbitrary>], iteration_bounds = array<i64: 64>, scalar_prefetch = 0 : i64, scratch_operands = 0 : i64, tpu.core_type = #tpu.core_type<tc>, window_params = [{transform_indices = @transform_0, window_bounds = array<i64: 64, 8192>}, {transform_indices = @transform_1, window_bounds = array<i64: 64, 8192>}, {transform_indices = @transform_2, window_bounds = array<i64: 8192, 128>}]} {
    %get3A = arith.constant 0 : index
    %get3A_0 = arith.constant 0 : index
    %get3A_1 = vector.load %arg1[%get3A, %get3A_0] : memref<64x8192xf32, #tpu.memory_space<vmem>>, vector<64x8192xf32>
    %transpose3A = tpu.transpose %get3A_1, [1, 0] : vector<64x8192xf32> -> vector<8192x64xf32>
    %swap3A = arith.constant 0 : index
    %swap3A_2 = arith.constant 0 : index
    %swap3A_3 = vector.load %arg3[%swap3A, %swap3A_2] : memref<8192x128xf32, #tpu.memory_space<vmem>>, vector<8192x64xf32>
    tpu.vector_store %arg3[%swap3A, %swap3A_2], %transpose3A {strides = array<i32>} : memref<8192x128xf32, #tpu.memory_space<vmem>>, vector<8192x64xf32>,
    %get3A_4 = arith.constant 0 : index
    %get3A_5 = arith.constant 0 : index
    %get3A_6 = vector.load %arg2[%get3A_4, %get3A_5] : memref<64x8192xf32, #tpu.memory_space<vmem>>, vector<64x8192xf32>
    %transpose3A_7 = tpu.transpose %get3A_6, [1, 0] : vector<64x8192xf32> -> vector<8192x64xf32>
    %swap3A_8 = arith.constant 0 : index
    %swap3A_9 = arith.constant 64 : index
    %swap3A_10 = vector.load %arg3[%swap3A_8, %swap3A_9] : memref<8192x128xf32, #tpu.memory_space<vmem>>, vector<8192x64xf32>
    tpu.vector_store %arg3[%swap3A_8, %swap3A_9], %transpose3A_7 {strides = array<i32>} : memref<8192x128xf32, #tpu.memory_space<vmem>>, vector<8192x64xf32>,
    return
  }
  func.func @transform_0(%arg0: i32) -> (i32, i32) {
    %c0_i32 = arith.constant 0 : i32
    %c0_i32_0 = arith.constant 0 : i32
    return %c0_i32, %arg0 : i32, i32
  }
  func.func @transform_1(%arg0: i32) -> (i32, i32) {
    %add3A = arith.constant 64 : i32
    %add3A_0 = arith.addi %add3A, %arg0 : i32
    %min3A = arith.constant 122 : i32
    %min3A_1 = arith.minsi %add3A_0, %min3A : i32
    %c0_i32 = arith.constant 0 : i32
    %c0_i32_2 = arith.constant 0 : i32
    return %c0_i32, %min3A_1 : i32, i32
  }
  func.func @transform_2(%arg0: i32) -> (i32, i32) {
    %c0_i32 = arith.constant 0 : i32
    %c0_i32_0 = arith.constant 0 : i32
    return %arg0, %c0_i32 : i32, i32
  }
}

module attributes {stable_mosaic.version = 14 : i64} {
  func.func @_compute_body(%arg0: i32, %arg1: memref<2048x128xf32, #tpu.memory_space<vmem>>, %arg2: memref<2048x64xf32, #tpu.memory_space<vmem>>, %arg3: memref<128x64xf32, #tpu.memory_space<vmem>>, %arg4: memref<1x64xf32, #tpu.memory_space<vmem>>, %arg5: memref<64x64xf32, #tpu.memory_space<vmem>>, %arg6: memref<1x64xf32, #tpu.memory_space<vmem>>, %arg7: memref<2048x64xf32, #tpu.memory_space<vmem>>) attributes {dimension_semantics = [#tpu.dimension_semantics<arbitrary>], iteration_bounds = array<i64: 8>, scalar_prefetch = 0 : i64, scratch_operands = 0 : i64, tpu.core_type = #tpu.core_type<tc>, window_params = [{transform_indices = @transform_0, window_bounds = array<i64: 2048, 128>}, {transform_indices = @transform_1, window_bounds = array<i64: 2048, 64>}, {pipeline_mode = #tpu.pipeline_mode<synchronous>, transform_indices = @transform_2, window_bounds = array<i64: 128, 64>}, {pipeline_mode = #tpu.pipeline_mode<synchronous>, transform_indices = @transform_3, window_bounds = array<i64: 1, 64>}, {pipeline_mode = #tpu.pipeline_mode<synchronous>, transform_indices = @transform_4, window_bounds = array<i64: 64, 64>}, {pipeline_mode = #tpu.pipeline_mode<synchronous>, transform_indices = @transform_5, window_bounds = array<i64: 1, 64>}, {transform_indices = @transform_6, window_bounds = array<i64: 2048, 64>}]} {
    %get3A = arith.constant 0 : index
    %get3A_0 = arith.constant 0 : index
    %get3A_1 = vector.load %arg1[%get3A, %get3A_0] : memref<2048x128xf32, #tpu.memory_space<vmem>>, vector<2048x128xf32>
    %get3A_2 = arith.constant 0 : index
    %get3A_3 = arith.constant 0 : index
    %get3A_4 = vector.load %arg2[%get3A_2, %get3A_3] : memref<2048x64xf32, #tpu.memory_space<vmem>>, vector<2048x64xf32>
    %get3A_5 = arith.constant 0 : index
    %get3A_6 = arith.constant 0 : index
    %get3A_7 = vector.load %arg3[%get3A_5, %get3A_6] : memref<128x64xf32, #tpu.memory_space<vmem>>, vector<128x64xf32>
    %dot_general3A = arith.constant dense<0.000000e+00> : vector<2048x64xf32>
    %dot_general3A_8 = tpu.matmul %get3A_1, %get3A_7, %dot_general3A {dimension_numbers = #tpu.dot_dimension_numbers<[1], [0], [0], [1], [0, 0, 1, 1], [], []>, transpose_lhs_hint = false} : vector<2048x128xf32>, vector<128x64xf32>, vector<2048x64xf32> -> vector<2048x64xf32>
    %get3A_9 = arith.constant 0 : index
    %get3A_10 = arith.constant 0 : index
    %get3A_11 = vector.load %arg4[%get3A_9, %get3A_10] : memref<1x64xf32, #tpu.memory_space<vmem>>, vector<1x64xf32>
    %add3A = vector.broadcast %get3A_11 : vector<1x64xf32> to vector<2048x64xf32>
    %add3A_12 = arith.addf %dot_general3A_8, %add3A : vector<2048x64xf32>
    %logistic3A = arith.negf %add3A_12 : vector<2048x64xf32>
    %logistic3A_13 = math.exp %logistic3A : vector<2048x64xf32>
    %logistic3A_14 = arith.constant 1.000000e+00 : f32
    %logistic3A_15 = vector.broadcast %logistic3A_14 : f32 to vector<2048x64xf32>
    %logistic3A_16 = arith.addf %logistic3A_15, %logistic3A_13 : vector<2048x64xf32>
    %logistic3A_17 = arith.divf %logistic3A_15, %logistic3A_16 : vector<2048x64xf32>
    %get3A_18 = arith.constant 0 : index
    %get3A_19 = arith.constant 0 : index
    %get3A_20 = vector.load %arg5[%get3A_18, %get3A_19] : memref<64x64xf32, #tpu.memory_space<vmem>>, vector<64x64xf32>
    %dot_general3A_21 = arith.constant dense<0.000000e+00> : vector<2048x64xf32>
    %dot_general3A_22 = tpu.matmul %get3A_4, %get3A_20, %dot_general3A_21 {dimension_numbers = #tpu.dot_dimension_numbers<[1], [0], [0], [1], [0, 0, 1, 1], [], []>, transpose_lhs_hint = false} : vector<2048x64xf32>, vector<64x64xf32>, vector<2048x64xf32> -> vector<2048x64xf32>
    %get3A_23 = arith.constant 0 : index
    %get3A_24 = arith.constant 0 : index
    %get3A_25 = vector.load %arg6[%get3A_23, %get3A_24] : memref<1x64xf32, #tpu.memory_space<vmem>>, vector<1x64xf32>
    %add3A_26 = vector.broadcast %get3A_25 : vector<1x64xf32> to vector<2048x64xf32>
    %add3A_27 = arith.addf %dot_general3A_22, %add3A_26 : vector<2048x64xf32>
    %mul3A = arith.mulf %add3A_27, %logistic3A_17 : vector<2048x64xf32>
    %logistic3A_28 = arith.negf %mul3A : vector<2048x64xf32>
    %logistic3A_29 = math.exp %logistic3A_28 : vector<2048x64xf32>
    %logistic3A_30 = arith.constant 1.000000e+00 : f32
    %logistic3A_31 = vector.broadcast %logistic3A_30 : f32 to vector<2048x64xf32>
    %logistic3A_32 = arith.addf %logistic3A_31, %logistic3A_29 : vector<2048x64xf32>
    %logistic3A_33 = arith.divf %logistic3A_31, %logistic3A_32 : vector<2048x64xf32>
    %mul3A_34 = arith.mulf %logistic3A_33, %get3A_4 : vector<2048x64xf32>
    %sub3A = arith.constant 1.000000e+00 : f32
    %sub3A_35 = vector.broadcast %sub3A : f32 to vector<2048x64xf32>
    %sub3A_36 = arith.subf %sub3A_35, %logistic3A_33 : vector<2048x64xf32>
    %mul3A_37 = arith.mulf %sub3A_36, %logistic3A_17 : vector<2048x64xf32>
    %add3A_38 = arith.addf %mul3A_34, %mul3A_37 : vector<2048x64xf32>
    %mul3A_39 = arith.mulf %add3A_38, %add3A_38 : vector<2048x64xf32>
    %reduce_sum3A = arith.constant dense<0.000000e+00> : vector<2048xf32>
    %reduce_sum3A_40 = vector.multi_reduction <add>, %mul3A_39, %reduce_sum3A [1] : vector<2048x64xf32> to vector<2048xf32>
    %broadcast_in_dim3A = vector.shape_cast %reduce_sum3A_40 : vector<2048xf32> to vector<2048x1xf32>
    %sqrt3A = math.sqrt %broadcast_in_dim3A : vector<2048x1xf32>
    %max3A = arith.constant 9.99999996E-13 : f32
    %max3A_41 = vector.broadcast %max3A : f32 to vector<2048x1xf32>
    %max3A_42 = arith.maximumf %sqrt3A, %max3A_41 : vector<2048x1xf32>
    %div3A = vector.broadcast %max3A_42 : vector<2048x1xf32> to vector<2048x64xf32>
    %div3A_43 = arith.divf %add3A_38, %div3A : vector<2048x64xf32>
    %swap3A = arith.constant 0 : index
    %swap3A_44 = arith.constant 0 : index
    %swap3A_45 = vector.load %arg7[%swap3A, %swap3A_44] : memref<2048x64xf32, #tpu.memory_space<vmem>>, vector<2048x64xf32>
    tpu.vector_store %arg7[%swap3A, %swap3A_44], %div3A_43 {strides = array<i32>} : memref<2048x64xf32, #tpu.memory_space<vmem>>, vector<2048x64xf32>,
    return
  }
  func.func @transform_0(%arg0: i32) -> (i32, i32) {
    %c0_i32 = arith.constant 0 : i32
    %c0_i32_0 = arith.constant 0 : i32
    return %arg0, %c0_i32 : i32, i32
  }
  func.func @transform_1(%arg0: i32) -> (i32, i32) {
    %c0_i32 = arith.constant 0 : i32
    %c0_i32_0 = arith.constant 0 : i32
    return %arg0, %c0_i32 : i32, i32
  }
  func.func @transform_2(%arg0: i32) -> (i32, i32) {
    %c0_i32 = arith.constant 0 : i32
    %c0_i32_0 = arith.constant 0 : i32
    %c0_i32_1 = arith.constant 0 : i32
    return %c0_i32, %c0_i32_0 : i32, i32
  }
  func.func @transform_3(%arg0: i32) -> (i32, i32) {
    %c0_i32 = arith.constant 0 : i32
    %c0_i32_0 = arith.constant 0 : i32
    %c0_i32_1 = arith.constant 0 : i32
    return %c0_i32, %c0_i32_0 : i32, i32
  }
  func.func @transform_4(%arg0: i32) -> (i32, i32) {
    %c0_i32 = arith.constant 0 : i32
    %c0_i32_0 = arith.constant 0 : i32
    %c0_i32_1 = arith.constant 0 : i32
    return %c0_i32, %c0_i32_0 : i32, i32
  }
  func.func @transform_5(%arg0: i32) -> (i32, i32) {
    %c0_i32 = arith.constant 0 : i32
    %c0_i32_0 = arith.constant 0 : i32
    %c0_i32_1 = arith.constant 0 : i32
    return %c0_i32, %c0_i32_0 : i32, i32
  }
  func.func @transform_6(%arg0: i32) -> (i32, i32) {
    %c0_i32 = arith.constant 0 : i32
    %c0_i32_0 = arith.constant 0 : i32
    return %arg0, %c0_i32 : i32, i32
  }
}

module attributes {stable_mosaic.version = 14 : i64} {
  func.func @_cout_body(%arg0: i32, %arg1: memref<8192x128xf32, #tpu.memory_space<vmem>>, %arg2: memref<64x8192xf32, #tpu.memory_space<vmem>>) attributes {dimension_semantics = [#tpu.dimension_semantics<arbitrary>], iteration_bounds = array<i64: 123>, scalar_prefetch = 0 : i64, scratch_operands = 0 : i64, tpu.core_type = #tpu.core_type<tc>, window_params = [{transform_indices = @transform_0, window_bounds = array<i64: 8192, 128>}, {transform_indices = @transform_1, window_bounds = array<i64: 64, 8192>}]} {
    %get3A = arith.constant 0 : index
    %get3A_0 = arith.constant 0 : index
    %get3A_1 = vector.load %arg1[%get3A, %get3A_0] : memref<8192x128xf32, #tpu.memory_space<vmem>>, vector<8192x128xf32>
    %transpose3A = tpu.transpose %get3A_1, [1, 0] : vector<8192x128xf32> -> vector<128x8192xf32>
    %ge3A = arith.constant 64 : i32
    %ge3A_2 = arith.cmpi sge, %arg0, %ge3A : i32
    %slice3A = vector.extract_strided_slice %transpose3A {offsets = [64, 0], sizes = [64, 8192], strides = [1, 1]} : vector<128x8192xf32> to vector<64x8192xf32>
    %slice3A_3 = vector.extract_strided_slice %transpose3A {offsets = [0, 0], sizes = [64, 8192], strides = [1, 1]} : vector<128x8192xf32> to vector<64x8192xf32>
    %select_n3A = arith.select %ge3A_2, %slice3A, %slice3A_3 : vector<64x8192xf32>
    %swap3A = arith.constant 0 : index
    %swap3A_4 = arith.constant 0 : index
    %swap3A_5 = vector.load %arg2[%swap3A, %swap3A_4] : memref<64x8192xf32, #tpu.memory_space<vmem>>, vector<64x8192xf32>
    tpu.vector_store %arg2[%swap3A, %swap3A_4], %select_n3A {strides = array<i32>} : memref<64x8192xf32, #tpu.memory_space<vmem>>, vector<64x8192xf32>,
    return
  }
  func.func @transform_0(%arg0: i32) -> (i32, i32) {
    %ge3A = arith.constant 64 : i32
    %ge3A_0 = arith.cmpi sge, %arg0, %ge3A : i32
    %sub3A = arith.constant 64 : i32
    %sub3A_1 = arith.subi %arg0, %sub3A : i32
    %select_n3A = arith.select %ge3A_0, %sub3A_1, %arg0 : i32
    %c0_i32 = arith.constant 0 : i32
    %c0_i32_2 = arith.constant 0 : i32
    return %select_n3A, %c0_i32 : i32, i32
  }
  func.func @transform_1(%arg0: i32) -> (i32, i32) {
    %c0_i32 = arith.constant 0 : i32
    %c0_i32_0 = arith.constant 0 : i32
    return %c0_i32, %arg0 : i32, i32
  }
}

</mosaic_0001>

<sc_bundles>
// kernel: gather_offload_async_start.1
scs
__scs_entry_jumppad:
0x0: {  	(pc) =	sbr.rel $0x88, $3  }
0x1: {  	(tag) =	ssettag $0x0;
	lr =	simm.s32 $0x1  }
0x2: {  	[smem:$0x3F9A] =	sst lr;
	_ =	strace $0xD0000000  }
0x3: {  	_ = 	snop  }
0x4: {  	_ = 	snop  }
0x5: {  	_ = 	snop  }
0x6: {  	_ = 	snop  }
0x7: {  	_ = 	snop  }
__scs_overlays_trampoline_lowered:
0x8: {  	[smem:$0x3FA9] =	sst s0  }
0x9: {  	[smem:$0x3FAA] =	sst s1  }
0xa: {  	[smem:$0x3FAB] =	sst s2  }
0xb: {  	[smem:$0x3FAC] =	sst s3  }
0xc: {  	[smem:$0x3FAD] =	sst s4  }
0xd: {  	[smem:$0x3FAE] =	sst s5  }
0xe: {  	[smem:$0x3FAF] =	sst s6  }
0xf: {  	[smem:$0x3FB0] =	sst s7  }
0x10: {  	[smem:$0x3FB1] =	sst s8  }
0x11: {  	[smem:$0x3FB2] =	sst s9;
	s0 =	simm.s32 @!p0 $0x0  }
0x12: {  	s1 =	sld [smem:$0x3F98];
	s0 =	simm.s32 @p0 $0x1  }
0x13: {  	[smem:$0x3FB3] =	sst s0;
	s0 =	simm.s32 @!p1 $0x0  }
0x14: {  	s2 =	sld [smem:$0x3F97];
	s0 =	simm.s32 @p1 $0x1  }
0x15: {  	[smem:$0x3FB4] =	sst s0;
	s0 =	simm.s32 @!p2 $0x0  }
0x16: {  	s3 =	sld [smem:$0x3FDB];
	s0 =	simm.s32 @p2 $0x1  }
0x17: {  	s4 =	simm.s32 $0x1BF5;
	[smem:$0x3FB6] =	sst s0  }
0x18: {  	s0 =	sld [smem:$0x3F99];
	_ =	swait.ge [sflag:s4], $0x0  }
0x19: {  	s7 =	sld [smem:$0x3F9A]  }
0x1a: {  	s8 =	sadd.s32 $0xFFFFE003, lr  }
0x1b: {  	s9 =	sadd.s32 $0xFFFFFEF7, lr;
	s5 =	simm.s32 $0xFFFFFFFF;
	p2 =	slt.u32 s8, $0xFFFFF086  }
0x1c: {  	p1 =	slt.u32 s9, $0xF7A;
	s5 =	simm.s32 @!p2 $0x0  }
0x1d: {  	s5 =	simm.s32 @p1 $0x1;
	p0 =	seq.s32 s7, s2  }
0x1e: {  	s7 =	smul.u32 @!p0 $0xF7A, s2;
	p2 =	seq.s32 @!p0 s5, $0x0  }
0x1f: {  	s9 =	smul.u32 $0xF7A, s1;
	s8 =	simm.s32 @!p0 $0x1BF5;
	p2 =	por !p2, p0  }
0x20: {  	[sflag:s8] =	ssyncset.s32 @!p0 $0xFFFFF086;
	s6 =	sadd.s32 @!p0 s3, s7;
	s7 =	simm.s32 @!p0 $0x108  }
0x21: {  	s3 =	sadd.s32 s3, s9;
	s6 =	sadd.s32 @!p0 $0x88, s6;
	s7 =	simm.s32 @p2 $0x1082  }
0x22: {  	[simem:s7], [sflag:s8] =	dma.local @!p0 [hbm:s6], $0xF7A  }
0x23: {  	s9 =	sor.u32 $0xD0000000, s2;
	s6 =	simm.s32 $0x108;
	_ =	swait.ge @!p0 [sflag:s8], $0x0  }
0x24: {  	s3 =	sadd.s32 $0x88, s3;
	s6 =	simm.s32 @!p1 $0x1082;
	[sflag:s4] =	ssyncset.s32 $0xFFFFF086  }
0x25: {  	[simem:s6], [sflag:s4] =	dma.local [hbm:s3], $0xF7A  }
0x26: {  	[smem:$0x3F9A] =	sst s1;
	(tag) =	ssettag s2;
	_ =	strace s9  }
0x27: {  	s1 =	sld [smem:$0x3FAA]  }
0x28: {  	s2 =	sld [smem:$0x3FAB]  }
0x29: {  	s4 =	sld [smem:$0x3FAD]  }
0x2a: {  	p0 =	seq.s32 s5, $0x0;
	s5 =	sld [smem:$0x3FAE]  }
0x2b: {  	s6 =	sld [smem:$0x3FAF]  }
0x2c: {  	s7 =	sld [smem:$0x3FB0]  }
0x2d: {  	s3 =	simm.s32 $0x108;
	s8 =	sld [smem:$0x3FB1]  }
0x2e: {  	s3 =	simm.s32 @!p0 $0x1082;
	s9 =	sld [smem:$0x3FB2]  }
0x2f: {  	lr =	sadd.s32 s0, s3;
	s0 =	sld [smem:$0x3FA9]  }
0x30: {  	s3 =	sld [smem:$0x3FAC]  }
0x31: {  	[smem:$0x3FB5] =	sst s10  }
0x32: {  	s10 =	sld [smem:$0x3FB3];
	_ =	sdelay $0x3  }
0x33: {  	p0 =	seq.s32 s10, $0x1;
	s10 =	sld [smem:$0x3FB5];
	_ =	sdelay $0x3  }
0x34: {  	[smem:$0x3FB5] =	sst s10  }
0x35: {  	s10 =	sld [smem:$0x3FB4];
	_ =	sdelay $0x3  }
0x36: {  	p1 =	seq.s32 s10, $0x1;
	s10 =	sld [smem:$0x3FB5];
	_ =	sdelay $0x3  }
0x37: {  	[smem:$0x3FB5] =	sst s10  }
0x38: {  	s10 =	sld [smem:$0x3FB6]  }
0x39: {  	_ = 	snop;
	(pc) =	sbr.ind lr, $3  }
0x3a: {  	_ = 	snop  }
0x3b: {  	_ = 	snop  }
0x3c: {  	p2 =	seq.s32 s10, $0x1;
	s10 =	sld [smem:$0x3FB5]  }
0x3d: {  	_ =	shalt  }
0x3e: {  	_ =	shalt  }
0x3f: {  	_ =	shalt  }
0x40: {  	_ =	shalt  }
0x41: {  	_ =	shalt  }
0x42: {  	_ =	shalt  }
0x43: {  	_ =	shalt  }
0x44: {  	_ =	shalt  }
0x45: {  	_ =	shalt  }
0x46: {  	_ =	shalt  }
0x47: {  	_ =	shalt  }
0x48: {  	_ =	shalt  }
0x49: {  	_ =	shalt  }
0x4a: {  	_ =	shalt  }
0x4b: {  	_ =	shalt  }
0x4c: {  	_ =	shalt  }
0x4d: {  	_ =	shalt  }
0x4e: {  	_ =	shalt  }
0x4f: {  	_ =	shalt  }
0x50: {  	_ =	shalt  }
0x51: {  	_ =	shalt  }
0x52: {  	_ =	shalt  }
0x53: {  	_ =	shalt  }
0x54: {  	_ =	shalt  }
0x55: {  	_ =	shalt  }
0x56: {  	_ =	shalt  }
0x57: {  	_ =	shalt  }
0x58: {  	_ =	shalt  }
0x59: {  	_ =	shalt  }
0x5a: {  	_ =	shalt  }
0x5b: {  	_ =	shalt  }
0x5c: {  	_ =	shalt  }
0x5d: {  	_ =	shalt  }
0x5e: {  	_ =	shalt  }
0x5f: {  	_ =	shalt  }
0x60: {  	_ =	shalt  }
0x61: {  	_ =	shalt  }
0x62: {  	_ =	shalt  }
0x63: {  	_ =	shalt  }
0x64: {  	_ =	shalt  }
0x65: {  	_ =	shalt  }
0x66: {  	_ =	shalt  }
0x67: {  	_ =	shalt  }
0x68: {  	_ =	shalt  }
0x69: {  	_ =	shalt  }
0x6a: {  	_ =	shalt  }
0x6b: {  	_ =	shalt  }
0x6c: {  	_ =	shalt  }
0x6d: {  	_ =	shalt  }
0x6e: {  	_ =	shalt  }
0x6f: {  	_ =	shalt  }
0x70: {  	_ =	shalt  }
0x71: {  	_ =	shalt  }
0x72: {  	_ =	shalt  }
0x73: {  	_ =	shalt  }
0x74: {  	_ =	shalt  }
0x75: {  	_ =	shalt  }
0x76: {  	_ =	shalt  }
0x77: {  	_ =	shalt  }
0x78: {  	_ =	shalt  }
0x79: {  	_ =	shalt  }
0x7a: {  	_ =	shalt  }
0x7b: {  	_ =	shalt  }
0x7c: {  	_ =	shalt  }
0x7d: {  	_ =	shalt  }
0x7e: {  	_ =	shalt  }
0x7f: {  	_ =	shalt  }
0x80: {  	_ =	shalt  }
0x81: {  	_ =	shalt  }
0x82: {  	_ =	shalt  }
0x83: {  	_ =	shalt  }
0x84: {  	_ =	shalt  }
0x85: {  	_ =	shalt  }
0x86: {  	_ =	shalt  }
0x87: {  	_ =	shalt  }
.Lfunc_end0:
.L_simem_size_0:
called_computation.1_lowered:
.L_overlay_start_0:
0x88: {  	s2 =	sld [smem:$0x3FD9]  }
0x89: {  	s3 =	sld [smem:$0x3FFE];
	_ =	sdelay $0x1  }
0x8a: {  	s1 =	srdreg.scid  }
0x8b: {  	s0 =	sand.u32 $0x1, s1  }
0x8c: {  	s14 =	sshll.u32 s0, $0xA;
	s2 =	sadd.s32 s3, s2  }
0x8d: {  	s2 =	sadd.s32 s2, s14  }
0x8e: {  	[smem:$0x3FC1] =	sst s2  }
0x8f: {  	_ = 	snop  }
0x90: {  	s2 =	sld [smem:$0x3FD0];
	_ =	sdelay $0x2  }
0x91: {  	s15 =	simm.s32 $0xB;
	s4 =	simm.s32 $0x10  }
0x92: {  	[smem:s4], [sflag:s15] =	dma.local [hbm:s2], $0x1  }
0x93: {  	_ =	swait.eq [sflag:s15], $0x1  }
0x94: {  	[sflag:s15] =	ssyncset.done $0x0  }
0x95: {  	[sflag:s15] =	ssyncadd.s32 $0xFFFFFFFF  }
0x96: {  	s16 =	sld [smem:$0x10];
	(tm) =	ssettm $0x1  }
0x97: {  	s17 =	sld [smem:$0x3FFB];
	_ =	sdelay $0x3  }
0x98: {  	_ =	strace s17  }
0x99: {  	s3 =	sld [smem:$0x3FFC];
	_ =	sdelay $0x3  }
0x9a: {  	_ =	strace s3  }
0x9b: {  	s3 =	sld [smem:$0x3FFD];
	_ =	sdelay $0x3  }
0x9c: {  	_ =	strace s3  }
0x9d: {  	_ =	strace $0x8FFFFFFF  }
0x9e: {  	s18 =	sld [smem:$0x3FDB];
	_ =	sdelay $0x1  }
0x9f: {  	s19 =	simm.s32 $_scs_section_size  }
0xa0: {  	s5 =	simm.s32 $_size__tile_overlayer_lowered;
	s6 =	simm.s32 $_tile_overlayer_lowered  }
0xa1: {  	s22 =	simm.s32 $0x1BFF;
	s21 =	sshll.u32 s6, $0x1;
	s3 =	sadd.s32 s19, s18  }
0xa2: {  	s7 =	simm.s32 $0x0;
	s20 =	sshll.u32 s5, $0x1;
	s5 =	sadd.s32 s21, s3  }
0xa3: {  	[timem:s7], [sflag:s22] =	dma.local [hbm:s5], s20  }
0xa4: {  	_ =	swait.ge [sflag:s22], s20  }
0xa5: {  	s4 =	ssub.s32 $0x0, s20;
	[sflag:s22] =	ssyncset.done $0x0  }
0xa6: {  	[sflag:s22] =	ssyncadd.s32 s4;
	_ =	sdelay $0x1  }
0xa7: {  	s23 =	simm.s32 $0x1B8B  }
0xa8: {  	_ =	swait.ge [sflag:s23], $0x1  }
0xa9: {  	[sflag:s23] =	ssyncset.done $0x0  }
0xaa: {  	s25 =	simm.s32 $0x1B8E;
	s24 =	sld [smem:$0x3FFE];
	[sflag:s23] =	ssyncadd.s32 $0xFFFFFFFF  }
0xab: {  	s26 =	simm.s32 $execute0_lowered;
	[smem:$0x3FD2] =	sst s25  }
0xac: {  	s5 =	sshll.u32 s26, $0x1;
	_ =	strace $0x8000004C;
	[dreg:$0x1] =	wrdreg $0xFFFFFFFF  }
0xad: {  	s28 =	simm.s32 $_size_execute0_lowered;
	s3 =	sadd.s32 s3, s5;
	[dreg:$0x0] =	wrdreg $0x0  }
0xae: {  	s5 =	sshll.u32 s28, $0x1;
	[dreg:$0x2] =	wrdreg s3  }
0xaf: {  	[dreg:$0x3] =	wrdreg s5  }
0xb0: {  	[dreg:$0x4] =	wrdreg $0xC0  }
0xb1: {  	_ =	task [dreg:s7], $0x5FFFF  }
0xb2: {  	[dreg:$0x1] =	wrdreg $0xFFFFFFFF  }
0xb3: {  	[dreg:$0x0] =	wrdreg $0x60  }
0xb4: {  	[dreg:$0x2] =	wrdreg s24  }
0xb5: {  	[dreg:$0x3] =	wrdreg s16  }
0xb6: {  	[dreg:$0x4] =	wrdreg $0x9  }
0xb7: {  	_ =	task.clear_ibuf [dreg:s7], $0x5FFFF;
	_ =	strace $0x9000004C  }
0xb8: {  	s29 =	simm.s32 $0x9;
	_ =	strace $0x8000004E  }
0xb9: {  	_ =	swait.ge [sflag:s29], $0x1  }
0xba: {  	[sflag:s29] =	ssyncadd.s32 $0xFFFFFFFF  }
0xbb: {  	_ =	strace $0x9000004E  }
0xbc: {  	_ =	sfence  }
0xbd: {  	s30 =	sld [smem:$0x0];
	_ =	sdelay $0x2  }
0xbe: {  	s31 =	sshll.u32 s1, $0xD;
	s1 =	sshrl.u32 s1, $0x2  }
0xbf: {  	s3 =	sand.u32 $0x4000, s31;
	s1 =	sadd.s32 s1, s30  }
0xc0: {  	s0 =	sor.u32 s3, s0;
	s1 =	sshll.u32 s1, $0x11  }
0xc1: {  	s0 =	sor.u32 s1, s0  }
0xc2: {  	s0 =	sadd.s32 $0x8F2B, s0  }
0xc3: {  	[sflag:s0] =	ssyncadd.remote.s32 $0x1  }
0xc4: {  	_ =	sfence.sel $0xFFFF  }
0xc5: {  	[dreg:$0x0] =	wrdreg $0xFFFFFFFF;
	(pc) =	sbr.abs _section_cstart, $3  }
0xc6: {  	[dreg:$0x1] =	wrdreg $0xFFFFFFFF  }
0xc7: {  	_ =	task.clear_ibuf [dreg:s7], $0x2FFFF;
	_ =	strace $0x9FFFFFFF  }
0xc8: {  	(tm) =	ssettm $0x7FFFFFFF  }
0xc9: {  	_ =	shalt  }
tec
execute0_lowered:
.L_overlay_start_1:
0x0: {  	(tag) =	ssettag $0x1  }
0x1: {  	s1 =	srdreg.scid;
	s5 =	rddreg [dreg:$0x0]  }
0x2: {  	s0 =	stileid.u32;
	s2 =	rddreg [dreg:$0x1];
	s6 =	simm.s32 $0x1  }
0x3: {  	s9 =	simm.s32 $0x1;
	s10 =	simm.s32 $0x3;
	s1 =	sshll.u32 s1, $0x8  }
0x4: {  	s13 =	simm.s32 $0x0;
	s3 =	sshll.u32 s0, $0x9;
	s4 =	sand.u32 $0x100, s1  }
0x5: {  	s12 =	simm.s32 $0x0;
	s1 =	rddreg [dreg:$0x2];
	s3 =	sor.u32 s3, s4  }
0x6: {  	_ =	strace $0x8000004D;
	s4 =	sadd.s32 $0x800, s5;
	s8 =	ssub.s32 $0x4000, s3  }
.Ltmp0:
0x7: {  	s5 =	sadd.s32 $0x801000, s5;
	s7 =	sand.u32 $0x1F00, s8;
	(pc) =	sbr.rel .LBB2_1-.Ltmp0, $4  }
0x8: {  	[sflag:s6] =	ssyncpa.u1 $0x0;
	s11 =	smov.u32 s3;
	p0 =	sne.s32 s7, $0x0  }
0x9: {  	s8 =	sshrl.u32 s8, $0xD;
	s7 =	simm.s32 $0x2;
	s9 =	simm.s32 @!p0 $0x0  }
0xa: {  	[sflag:s7] =	ssyncpa.u1 $0x0;
	p0 =	por $0x0, $0x0;
	s8 =	sadd.s32 s9, s8  }
0xb: {  	vm0 =	vmmov $0xffff;
	[sflag:s10] =	ssyncpa.u1 $0x0;
	s10 =	simm.s32 $0x0;
	s9 =	sadd.s32 $0x1, s8  }
.LBB2_4:
0xc: {  	v2 =	vnsel vm1, $0x0, v2  }
0xd: {  	vm1 =	vgt.s32 v0, $0x0;
	v2 =	vmin.u32 v2, $0x3FFF  }
0xe: {  	v0 =	vnsel vm1, $0x0, v0  }
0xf: {  	v0 =	vmin.u32 v0, $0x3FFF  }
0x10: {  	[tilespmem:s15], [sflag:$0x1] =	stream.indirect_vreg.gather [hbm4b:s4+s10], $0x1, v1, vm0, $0x4038;
	[tilespmem:$0x400] =	vst v63  }
0x11: {  	(ifvalue) =	ssetifvalue $0x7FFFFFFF  }
0x12: {  	[tilespmem:s16], [sflag:$0x1] =	stream.indirect_vreg.gather [hbm4b:s4+s10], $0x1, v2, vm0, $0x4038;
	[tilespmem:$0x400] =	vst v63  }
0x13: {  	s29 =	sadd.s32 $0x10, s16;
	(ifvalue) =	ssetifvalue $0x7FFFFFFF  }
0x14: {  	[tilespmem:s29], [sflag:$0x1] =	stream.indirect_vreg.gather [hbm4b:s4+s10], $0x1, v0, vm0, $0x4038;
	[tilespmem:$0x400] =	vst v63  }
0x15: {  	_ =	swait.ge [sflag:s6], $0x100  }
0x16: {  	s30 =	sshrl.u32 s13, $0x3;
	[sflag:s6] =	ssyncset.done $0x0  }
0x17: {  	s31 =	sand.u32 $0x7, s13;
	s15 =	sadd.s32 s2, s30;
	[sflag:s6] =	ssyncadd.s32 $0xFFFFFF00  }
0x18: {  	[hbm4b:s15+s31] =	stream.linear.scatter [tilespmem:s14], [sflag:$0x3], $0x100, $0x38;
	[tilespmem:$0x400] =	vst v63  }
.LBB2_5:
0x19: {  	s15 =	sadd.s32 $0x2000, s11  }
0x1a: {  	p2 =	sgt.s32 s15, $0x3FFF  }
0x1b: {  	s15 =	smov.u32 @p2 s3;
	p2 =	sne.s32 s12, s9  }
.Ltmp1:
0x1c: {  	p1 =	slt.u32 s12, $0x2;
	(pc) =	sbr.rel @!p2 .LBB2_6-.Ltmp1, $4  }
0x1d: {  	s14 =	simm.s32 @!p1 $0x3  }
0x1e: {  	s16 =	sadd.s32 $0x1, s12;
	_ =	swait.ge @!p1 [sflag:s14], $0x100  }
0x1f: {  	s13 =	smov.u32 s11;
	p0 =	por !p0, !p0;
	[sflag:s14] =	ssyncset.done @!p1 $0x0  }
0x20: {  	s12 =	smov.u32 s16;
	s11 =	smov.u32 s15;
	[sflag:s14] =	ssyncadd.s32 @!p1 $0xFFFFFF00  }
.LBB2_1:
0x21: {  	p1 =	sge.u32 s12, s8  }
0x22: {  	s14 =	sxor.u32 @!p1 $0xFFFFFFFF, s12  }
0x23: {  	s31 =	sadd.s32 $0xFFFFFFFF, s12;
	s15 =	sshrl.u32 @!p1 s11, $0x3;
	s14 =	sshll.u32 @!p1 s14, $0x8  }
0x24: {  	s16 =	sand.u32 @!p1 $0x7, s11;
	s15 =	sadd.s32 @!p1 s5, s15;
	s14 =	sand.u32 @!p1 $0x100, s14  }
0x25: {  	[tilespmem:s14], [sflag:$0x2] =	stream.linear.gather @!p1 [hbm4b:s15+s16], $0x100, $0x38;
	[tilespmem:$0x400] =	vst v63  }
0x26: {  	p1 =	sge.u32 s31, s8  }
.Ltmp2:
0x27: {  	_ = 	snop;
	(pc) =	sbr.rel @p1 .LBB2_5-.Ltmp2, $1  }
0x28: {  	_ =	sdelay $0x3  }
0x29: {  	s14 =	simm.s32 $0x1  }
0x2a: {  	_ =	swait.ge [sflag:s7], $0x100;
	s14 =	simm.s32 @!p0 $0x0  }
0x2b: {  	[sflag:s7] =	ssyncset.done $0x0;
	s14 =	sshll.u32 s14, $0x8  }
0x2c: {  	[sflag:s7] =	ssyncadd.s32 $0xFFFFFF00;
	(ifvalue) =	ssetifvalue $0x7FFFFFFF;
	v0 =	vld.msk [tilespmem:s14+$0x0 ss:$0x1], $0xffff;
	_ =	sdelay $0x4  }
0x2d: {  	s15 =	sadd.s32 $0x10, s14;
	vm1 =	vgt.s32 v0, $0x0  }
0x2e: {  	v2 =	vld.msk [tilespmem:s15+$0x0 ss:$0x1], $0xffff;
	v1 =	vnsel vm1, $0x0, v0  }
0x2f: {  	v1 =	vmin.u32 v1, $0x3FFF;
	_ =	sdelay $0x1  }
0x30: {  	s16 =	sshll.u32 s12, $0x8;
	s18 =	simm.s32 $0x20  }
0x31: {  	s16 =	sand.u32 $0x100, s16;
	s17 =	sadd.s32 $0x10, s15;
	s15 =	sor.u32 $0x200, s14  }
0x32: {  	s14 =	sor.u32 $0x200, s16;
	s16 =	sadd.s32 $0x10, s15;
	v0 =	vld.msk [tilespmem:s17+$0x0 ss:$0x1], $0xffff;
	vm1 =	vgt.s32 v2, $0x0;
	(ifvalue) =	ssetifvalue $0x7FFFFFFF  }
.LBB2_3:
0x33: {  	[tilespmem:s15], [sflag:$0x1] =	stream.indirect_vreg.gather [hbm4b:s4+s10], $0x1, v1, vm0, $0x4038;
	[tilespmem:$0x400] =	vst v63  }
0x34: {  	s18 =	sadd.s32 $0x10, s18  }
0x35: {  	v2 =	vnsel vm1, $0x0, v2;
	p1 =	slt.u32 s18, $0xF0  }
.Ltmp3:
0x36: {  	s15 =	smov.u32 s16;
	v1 =	vmin.u32 v2, $0x3FFF;
	(pc) =	sbr.rel @p1 .LBB2_3-.Ltmp3, $3  }
0x37: {  	_ =	sdelay $0x1  }
0x38: {  	s17 =	sadd.s32 $0x10, s17  }
0x39: {  	vm1 =	vgt.s32 v0, $0x0;
	s16 =	sadd.s32 $0x10, s16;
	v2 =	vmov v0;
	(ifvalue) =	ssetifvalue $0x7FFFFFFF;
	v0 =	vld.msk [tilespmem:s17+$0x0 ss:$0x1], $0xffff  }
.Ltmp4:
0x3a: {  	_ = 	snop;
	(pc) =	sbr.rel .LBB2_4-.Ltmp4, $1  }
0x3b: {  	_ =	sdelay $0x3  }
.LBB2_6:
0x3c: {  	_ =	sfence.sel $0x180000  }
0x3d: {  	s2 =	simm.s32 $0x2;
	[bflag:$0x0] =	sbarrier.arrive $0xFFFF  }
0x3e: {  	s30 =	simm.s32 $0x3;
	[sflag:s2] =	ssyncpa.u1 $0x1  }
0x3f: {  	s31 =	simm.s32 $0x1;
	[sflag:s30] =	ssyncpa.u1 $0x1  }
0x40: {  	[sflag:s31] =	ssyncpa.u1 $0x1  }
0x41: {  	p0 =	sne.s32 s0, $0x0;
	_ =	strace $0x9000004D  }
0x42: {  	s0 =	sadd.s32 @!p0 $0x100000, s1;
	[bflag:$0x2] =	sbarrier.arrive $0xFFFF  }
0x43: {  	[sflag:s0] =	ssyncadd.tile.s32 @!p0 $0x1;
	_ =	shalt  }
.Lfunc_end2:
_tile_overlayer_lowered:
.L_overlay_start_2:
0x44: {  	(tag) =	ssettag $0x2  }
0x45: {  	s0 =	rddreg [dreg:$0x0];
	s2 =	stileid.u32  }
0x46: {  	s1 =	rddreg [dreg:$0x1];
	p0 =	sne.s32 s2, $0x0  }
0x47: {  	s3 =	rddreg [dreg:$0x2];
	[bflag:$0x3] =	sbarrier.arrive $0xFFFF;
	s2 =	simm.s32 @!p0 $0x1C01  }
0x48: {  	[timem:s3], [sflag:s2] =	dma.local @!p0 [hbm:s0], s1  }
0x49: {  	s0 =	simm.s32 @!p0 $0x1  }
0x4a: {  	_ =	swait.ge @!p0 [sflag:s0], s1  }
0x4b: {  	s1 =	ssub.s32 @!p0 $0x0, s1;
	[sflag:s0] =	ssyncset.done @!p0 $0x0  }
0x4c: {  	[sflag:s0] =	ssyncadd.s32 @!p0 s1  }
0x4d: {  	[bflag:$0x3] =	sbarrier.arrive $0xFFFF  }
0x4e: {  	_ =	shalt  }

// kernel: gather_offload_async_start.2
scs
__scs_entry_jumppad:
0x0: {  	(pc) =	sbr.rel $0x88, $3  }
0x1: {  	(tag) =	ssettag $0x0;
	lr =	simm.s32 $0x1  }
0x2: {  	[smem:$0x3F9A] =	sst lr;
	_ =	strace $0xD0000000  }
0x3: {  	_ = 	snop  }
0x4: {  	_ = 	snop  }
0x5: {  	_ = 	snop  }
0x6: {  	_ = 	snop  }
0x7: {  	_ = 	snop  }
__scs_overlays_trampoline_lowered:
0x8: {  	[smem:$0x3FA9] =	sst s0  }
0x9: {  	[smem:$0x3FAA] =	sst s1  }
0xa: {  	[smem:$0x3FAB] =	sst s2  }
0xb: {  	[smem:$0x3FAC] =	sst s3  }
0xc: {  	[smem:$0x3FAD] =	sst s4  }
0xd: {  	[smem:$0x3FAE] =	sst s5  }
0xe: {  	[smem:$0x3FAF] =	sst s6  }
0xf: {  	[smem:$0x3FB0] =	sst s7  }
0x10: {  	[smem:$0x3FB1] =	sst s8  }
0x11: {  	[smem:$0x3FB2] =	sst s9;
	s0 =	simm.s32 @!p0 $0x0  }
0x12: {  	s1 =	sld [smem:$0x3F98];
	s0 =	simm.s32 @p0 $0x1  }
0x13: {  	[smem:$0x3FB3] =	sst s0;
	s0 =	simm.s32 @!p1 $0x0  }
0x14: {  	s2 =	sld [smem:$0x3F97];
	s0 =	simm.s32 @p1 $0x1  }
0x15: {  	[smem:$0x3FB4] =	sst s0;
	s0 =	simm.s32 @!p2 $0x0  }
0x16: {  	s3 =	sld [smem:$0x3FDB];
	s0 =	simm.s32 @p2 $0x1  }
0x17: {  	s4 =	simm.s32 $0x1BF5;
	[smem:$0x3FB6] =	sst s0  }
0x18: {  	s0 =	sld [smem:$0x3F99];
	_ =	swait.ge [sflag:s4], $0x0  }
0x19: {  	s7 =	sld [smem:$0x3F9A]  }
0x1a: {  	s8 =	sadd.s32 $0xFFFFE003, lr  }
0x1b: {  	s9 =	sadd.s32 $0xFFFFFEF7, lr;
	s5 =	simm.s32 $0xFFFFFFFF;
	p2 =	slt.u32 s8, $0xFFFFF086  }
0x1c: {  	p1 =	slt.u32 s9, $0xF7A;
	s5 =	simm.s32 @!p2 $0x0  }
0x1d: {  	s5 =	simm.s32 @p1 $0x1;
	p0 =	seq.s32 s7, s2  }
0x1e: {  	s7 =	smul.u32 @!p0 $0xF7A, s2;
	p2 =	seq.s32 @!p0 s5, $0x0  }
0x1f: {  	s9 =	smul.u32 $0xF7A, s1;
	s8 =	simm.s32 @!p0 $0x1BF5;
	p2 =	por !p2, p0  }
0x20: {  	[sflag:s8] =	ssyncset.s32 @!p0 $0xFFFFF086;
	s6 =	sadd.s32 @!p0 s3, s7;
	s7 =	simm.s32 @!p0 $0x108  }
0x21: {  	s3 =	sadd.s32 s3, s9;
	s6 =	sadd.s32 @!p0 $0x88, s6;
	s7 =	simm.s32 @p2 $0x1082  }
0x22: {  	[simem:s7], [sflag:s8] =	dma.local @!p0 [hbm:s6], $0xF7A  }
0x23: {  	s9 =	sor.u32 $0xD0000000, s2;
	s6 =	simm.s32 $0x108;
	_ =	swait.ge @!p0 [sflag:s8], $0x0  }
0x24: {  	s3 =	sadd.s32 $0x88, s3;
	s6 =	simm.s32 @!p1 $0x1082;
	[sflag:s4] =	ssyncset.s32 $0xFFFFF086  }
0x25: {  	[simem:s6], [sflag:s4] =	dma.local [hbm:s3], $0xF7A  }
0x26: {  	[smem:$0x3F9A] =	sst s1;
	(tag) =	ssettag s2;
	_ =	strace s9  }
0x27: {  	s1 =	sld [smem:$0x3FAA]  }
0x28: {  	s2 =	sld [smem:$0x3FAB]  }
0x29: {  	s4 =	sld [smem:$0x3FAD]  }
0x2a: {  	p0 =	seq.s32 s5, $0x0;
	s5 =	sld [smem:$0x3FAE]  }
0x2b: {  	s6 =	sld [smem:$0x3FAF]  }
0x2c: {  	s7 =	sld [smem:$0x3FB0]  }
0x2d: {  	s3 =	simm.s32 $0x108;
	s8 =	sld [smem:$0x3FB1]  }
0x2e: {  	s3 =	simm.s32 @!p0 $0x1082;
	s9 =	sld [smem:$0x3FB2]  }
0x2f: {  	lr =	sadd.s32 s0, s3;
	s0 =	sld [smem:$0x3FA9]  }
0x30: {  	s3 =	sld [smem:$0x3FAC]  }
0x31: {  	[smem:$0x3FB5] =	sst s10  }
0x32: {  	s10 =	sld [smem:$0x3FB3];
	_ =	sdelay $0x3  }
0x33: {  	p0 =	seq.s32 s10, $0x1;
	s10 =	sld [smem:$0x3FB5];
	_ =	sdelay $0x3  }
0x34: {  	[smem:$0x3FB5] =	sst s10  }
0x35: {  	s10 =	sld [smem:$0x3FB4];
	_ =	sdelay $0x3  }
0x36: {  	p1 =	seq.s32 s10, $0x1;
	s10 =	sld [smem:$0x3FB5];
	_ =	sdelay $0x3  }
0x37: {  	[smem:$0x3FB5] =	sst s10  }
0x38: {  	s10 =	sld [smem:$0x3FB6]  }
0x39: {  	_ = 	snop;
	(pc) =	sbr.ind lr, $3  }
0x3a: {  	_ = 	snop  }
0x3b: {  	_ = 	snop  }
0x3c: {  	p2 =	seq.s32 s10, $0x1;
	s10 =	sld [smem:$0x3FB5]  }
0x3d: {  	_ =	shalt  }
0x3e: {  	_ =	shalt  }
0x3f: {  	_ =	shalt  }
0x40: {  	_ =	shalt  }
0x41: {  	_ =	shalt  }
0x42: {  	_ =	shalt  }
0x43: {  	_ =	shalt  }
0x44: {  	_ =	shalt  }
0x45: {  	_ =	shalt  }
0x46: {  	_ =	shalt  }
0x47: {  	_ =	shalt  }
0x48: {  	_ =	shalt  }
0x49: {  	_ =	shalt  }
0x4a: {  	_ =	shalt  }
0x4b: {  	_ =	shalt  }
0x4c: {  	_ =	shalt  }
0x4d: {  	_ =	shalt  }
0x4e: {  	_ =	shalt  }
0x4f: {  	_ =	shalt  }
0x50: {  	_ =	shalt  }
0x51: {  	_ =	shalt  }
0x52: {  	_ =	shalt  }
0x53: {  	_ =	shalt  }
0x54: {  	_ =	shalt  }
0x55: {  	_ =	shalt  }
0x56: {  	_ =	shalt  }
0x57: {  	_ =	shalt  }
0x58: {  	_ =	shalt  }
0x59: {  	_ =	shalt  }
0x5a: {  	_ =	shalt  }
0x5b: {  	_ =	shalt  }
0x5c: {  	_ =	shalt  }
0x5d: {  	_ =	shalt  }
0x5e: {  	_ =	shalt  }
0x5f: {  	_ =	shalt  }
0x60: {  	_ =	shalt  }
0x61: {  	_ =	shalt  }
0x62: {  	_ =	shalt  }
0x63: {  	_ =	shalt  }
0x64: {  	_ =	shalt  }
0x65: {  	_ =	shalt  }
0x66: {  	_ =	shalt  }
0x67: {  	_ =	shalt  }
0x68: {  	_ =	shalt  }
0x69: {  	_ =	shalt  }
0x6a: {  	_ =	shalt  }
0x6b: {  	_ =	shalt  }
0x6c: {  	_ =	shalt  }
0x6d: {  	_ =	shalt  }
0x6e: {  	_ =	shalt  }
0x6f: {  	_ =	shalt  }
0x70: {  	_ =	shalt  }
0x71: {  	_ =	shalt  }
0x72: {  	_ =	shalt  }
0x73: {  	_ =	shalt  }
0x74: {  	_ =	shalt  }
0x75: {  	_ =	shalt  }
0x76: {  	_ =	shalt  }
0x77: {  	_ =	shalt  }
0x78: {  	_ =	shalt  }
0x79: {  	_ =	shalt  }
0x7a: {  	_ =	shalt  }
0x7b: {  	_ =	shalt  }
0x7c: {  	_ =	shalt  }
0x7d: {  	_ =	shalt  }
0x7e: {  	_ =	shalt  }
0x7f: {  	_ =	shalt  }
0x80: {  	_ =	shalt  }
0x81: {  	_ =	shalt  }
0x82: {  	_ =	shalt  }
0x83: {  	_ =	shalt  }
0x84: {  	_ =	shalt  }
0x85: {  	_ =	shalt  }
0x86: {  	_ =	shalt  }
0x87: {  	_ =	shalt  }
.Lfunc_end0:
.L_simem_size_0:
called_computation.2_lowered:
.L_overlay_start_0:
0x88: {  	s2 =	sld [smem:$0x3FD9]  }
0x89: {  	s3 =	sld [smem:$0x3FFE];
	_ =	sdelay $0x1  }
0x8a: {  	s1 =	srdreg.scid  }
0x8b: {  	s0 =	sand.u32 $0x1, s1  }
0x8c: {  	s14 =	sshll.u32 s0, $0xA;
	s2 =	sadd.s32 s3, s2  }
0x8d: {  	s2 =	sadd.s32 s2, s14  }
0x8e: {  	[smem:$0x3FC1] =	sst s2  }
0x8f: {  	_ = 	snop  }
0x90: {  	s2 =	sld [smem:$0x3FD0];
	_ =	sdelay $0x2  }
0x91: {  	s15 =	simm.s32 $0xB;
	s4 =	simm.s32 $0x10  }
0x92: {  	[smem:s4], [sflag:s15] =	dma.local [hbm:s2], $0x1  }
0x93: {  	_ =	swait.eq [sflag:s15], $0x1  }
0x94: {  	[sflag:s15] =	ssyncset.done $0x0  }
0x95: {  	[sflag:s15] =	ssyncadd.s32 $0xFFFFFFFF  }
0x96: {  	s16 =	sld [smem:$0x10];
	(tm) =	ssettm $0x1  }
0x97: {  	s17 =	sld [smem:$0x3FFB];
	_ =	sdelay $0x3  }
0x98: {  	_ =	strace s17  }
0x99: {  	s3 =	sld [smem:$0x3FFC];
	_ =	sdelay $0x3  }
0x9a: {  	_ =	strace s3  }
0x9b: {  	s3 =	sld [smem:$0x3FFD];
	_ =	sdelay $0x3  }
0x9c: {  	_ =	strace s3  }
0x9d: {  	_ =	strace $0x8FFFFFFF  }
0x9e: {  	s18 =	sld [smem:$0x3FDB];
	_ =	sdelay $0x1  }
0x9f: {  	s19 =	simm.s32 $_scs_section_size  }
0xa0: {  	s5 =	simm.s32 $_size__tile_overlayer_lowered;
	s6 =	simm.s32 $_tile_overlayer_lowered  }
0xa1: {  	s22 =	simm.s32 $0x1BFF;
	s21 =	sshll.u32 s6, $0x1;
	s3 =	sadd.s32 s19, s18  }
0xa2: {  	s7 =	simm.s32 $0x0;
	s20 =	sshll.u32 s5, $0x1;
	s5 =	sadd.s32 s21, s3  }
0xa3: {  	[timem:s7], [sflag:s22] =	dma.local [hbm:s5], s20  }
0xa4: {  	_ =	swait.ge [sflag:s22], s20  }
0xa5: {  	s4 =	ssub.s32 $0x0, s20;
	[sflag:s22] =	ssyncset.done $0x0  }
0xa6: {  	[sflag:s22] =	ssyncadd.s32 s4;
	_ =	sdelay $0x1  }
0xa7: {  	s23 =	simm.s32 $0x1B8B  }
0xa8: {  	_ =	swait.ge [sflag:s23], $0x1  }
0xa9: {  	[sflag:s23] =	ssyncset.done $0x0  }
0xaa: {  	s25 =	simm.s32 $0x1B8E;
	s24 =	sld [smem:$0x3FFE];
	[sflag:s23] =	ssyncadd.s32 $0xFFFFFFFF  }
0xab: {  	s26 =	simm.s32 $execute0_lowered;
	[smem:$0x3FD2] =	sst s25  }
0xac: {  	s5 =	sshll.u32 s26, $0x1;
	_ =	strace $0x8000004F;
	[dreg:$0x1] =	wrdreg $0xFFFFFFFF  }
0xad: {  	s28 =	simm.s32 $_size_execute0_lowered;
	s3 =	sadd.s32 s3, s5;
	[dreg:$0x0] =	wrdreg $0x0  }
0xae: {  	s5 =	sshll.u32 s28, $0x1;
	[dreg:$0x2] =	wrdreg s3  }
0xaf: {  	[dreg:$0x3] =	wrdreg s5  }
0xb0: {  	[dreg:$0x4] =	wrdreg $0xC0  }
0xb1: {  	_ =	task [dreg:s7], $0x5FFFF  }
0xb2: {  	[dreg:$0x1] =	wrdreg $0xFFFFFFFF  }
0xb3: {  	[dreg:$0x0] =	wrdreg $0x60  }
0xb4: {  	[dreg:$0x2] =	wrdreg s16  }
0xb5: {  	[dreg:$0x3] =	wrdreg s24  }
0xb6: {  	[dreg:$0x4] =	wrdreg $0x9  }
0xb7: {  	_ =	task.clear_ibuf [dreg:s7], $0x5FFFF;
	_ =	strace $0x9000004F  }
0xb8: {  	s29 =	simm.s32 $0x9;
	_ =	strace $0x80000051  }
0xb9: {  	_ =	swait.ge [sflag:s29], $0x1  }
0xba: {  	[sflag:s29] =	ssyncadd.s32 $0xFFFFFFFF  }
0xbb: {  	_ =	strace $0x90000051  }
0xbc: {  	_ =	sfence  }
0xbd: {  	s30 =	sld [smem:$0x0];
	_ =	sdelay $0x2  }
0xbe: {  	s31 =	sshll.u32 s1, $0xD;
	s1 =	sshrl.u32 s1, $0x2  }
0xbf: {  	s3 =	sand.u32 $0x4000, s31;
	s1 =	sadd.s32 s1, s30  }
0xc0: {  	s0 =	sor.u32 s3, s0;
	s1 =	sshll.u32 s1, $0x11  }
0xc1: {  	s0 =	sor.u32 s1, s0  }
0xc2: {  	s0 =	sadd.s32 $0x8F2B, s0  }
0xc3: {  	[sflag:s0] =	ssyncadd.remote.s32 $0x1  }
0xc4: {  	_ =	sfence.sel $0xFFFF  }
0xc5: {  	[dreg:$0x0] =	wrdreg $0xFFFFFFFF;
	(pc) =	sbr.abs _section_cstart, $3  }
0xc6: {  	[dreg:$0x1] =	wrdreg $0xFFFFFFFF  }
0xc7: {  	_ =	task.clear_ibuf [dreg:s7], $0x2FFFF;
	_ =	strace $0x9FFFFFFF  }
0xc8: {  	(tm) =	ssettm $0x7FFFFFFF  }
0xc9: {  	_ =	shalt  }
tec
execute0_lowered:
.L_overlay_start_1:
0x0: {  	(tag) =	ssettag $0x1  }
0x1: {  	s2 =	rddreg [dreg:$0x0];
	s0 =	srdreg.scid  }
0x2: {  	s5 =	rddreg [dreg:$0x1];
	s1 =	stileid.u32;
	s6 =	simm.s32 $0x1  }
0x3: {  	s9 =	simm.s32 $0x1;
	s10 =	simm.s32 $0x3;
	s3 =	sshll.u32 s0, $0x8  }
0x4: {  	s13 =	simm.s32 $0x0;
	s4 =	sshll.u32 s1, $0x9;
	s3 =	sand.u32 $0x100, s3  }
0x5: {  	s0 =	rddreg [dreg:$0x2];
	_ =	strace $0x80000050;
	s3 =	sor.u32 s4, s3  }
0x6: {  	s12 =	simm.s32 $0x0;
	[sflag:s6] =	ssyncpa.u1 $0x0;
	s8 =	ssub.s32 $0x4000, s3  }
.Ltmp0:
0x7: {  	s4 =	sadd.s32 $0x801800, s5;
	s7 =	sand.u32 $0x1F00, s8;
	(pc) =	sbr.rel .LBB2_1-.Ltmp0, $4  }
0x8: {  	s5 =	sadd.s32 $0x800, s5;
	s11 =	smov.u32 s3;
	p0 =	sne.s32 s7, $0x0  }
0x9: {  	s8 =	sshrl.u32 s8, $0xD;
	s7 =	simm.s32 $0x2;
	s9 =	simm.s32 @!p0 $0x0  }
0xa: {  	[sflag:s7] =	ssyncpa.u1 $0x0;
	p0 =	por $0x0, $0x0;
	s8 =	sadd.s32 s9, s8  }
0xb: {  	vm0 =	vmmov $0xffff;
	[sflag:s10] =	ssyncpa.u1 $0x0;
	s10 =	simm.s32 $0x0;
	s9 =	sadd.s32 $0x1, s8  }
.LBB2_4:
0xc: {  	v2 =	vnsel vm1, $0x0, v2  }
0xd: {  	vm1 =	vgt.s32 v0, $0x0;
	v2 =	vmin.u32 v2, $0x3FFF  }
0xe: {  	v0 =	vnsel vm1, $0x0, v0  }
0xf: {  	v0 =	vmin.u32 v0, $0x3FFF  }
0x10: {  	[tilespmem:s15], [sflag:$0x1] =	stream.indirect_vreg.gather [hbm4b:s2+s10], $0x1, v1, vm0, $0x4038;
	[tilespmem:$0x400] =	vst v63  }
0x11: {  	(ifvalue) =	ssetifvalue $0x7FFFFFFF  }
0x12: {  	[tilespmem:s16], [sflag:$0x1] =	stream.indirect_vreg.gather [hbm4b:s2+s10], $0x1, v2, vm0, $0x4038;
	[tilespmem:$0x400] =	vst v63  }
0x13: {  	s29 =	sadd.s32 $0x10, s16;
	(ifvalue) =	ssetifvalue $0x7FFFFFFF  }
0x14: {  	[tilespmem:s29], [sflag:$0x1] =	stream.indirect_vreg.gather [hbm4b:s2+s10], $0x1, v0, vm0, $0x4038;
	[tilespmem:$0x400] =	vst v63  }
0x15: {  	_ =	swait.ge [sflag:s6], $0x100  }
0x16: {  	s30 =	sshrl.u32 s13, $0x3;
	[sflag:s6] =	ssyncset.done $0x0  }
0x17: {  	s31 =	sand.u32 $0x7, s13;
	s15 =	sadd.s32 s5, s30;
	[sflag:s6] =	ssyncadd.s32 $0xFFFFFF00  }
0x18: {  	[hbm4b:s15+s31] =	stream.linear.scatter [tilespmem:s14], [sflag:$0x3], $0x100, $0x38;
	[tilespmem:$0x400] =	vst v63  }
.LBB2_5:
0x19: {  	s15 =	sadd.s32 $0x2000, s11  }
0x1a: {  	p2 =	sgt.s32 s15, $0x3FFF  }
0x1b: {  	s15 =	smov.u32 @p2 s3;
	p2 =	sne.s32 s12, s9  }
.Ltmp1:
0x1c: {  	p1 =	slt.u32 s12, $0x2;
	(pc) =	sbr.rel @!p2 .LBB2_6-.Ltmp1, $4  }
0x1d: {  	s14 =	simm.s32 @!p1 $0x3  }
0x1e: {  	s16 =	sadd.s32 $0x1, s12;
	_ =	swait.ge @!p1 [sflag:s14], $0x100  }
0x1f: {  	s13 =	smov.u32 s11;
	p0 =	por !p0, !p0;
	[sflag:s14] =	ssyncset.done @!p1 $0x0  }
0x20: {  	s12 =	smov.u32 s16;
	s11 =	smov.u32 s15;
	[sflag:s14] =	ssyncadd.s32 @!p1 $0xFFFFFF00  }
.LBB2_1:
0x21: {  	p1 =	sge.u32 s12, s8  }
0x22: {  	s14 =	sxor.u32 @!p1 $0xFFFFFFFF, s12  }
0x23: {  	s31 =	sadd.s32 $0xFFFFFFFF, s12;
	s15 =	sshrl.u32 @!p1 s11, $0x3;
	s14 =	sshll.u32 @!p1 s14, $0x8  }
0x24: {  	s16 =	sand.u32 @!p1 $0x7, s11;
	s15 =	sadd.s32 @!p1 s4, s15;
	s14 =	sand.u32 @!p1 $0x100, s14  }
0x25: {  	[tilespmem:s14], [sflag:$0x2] =	stream.linear.gather @!p1 [hbm4b:s15+s16], $0x100, $0x38;
	[tilespmem:$0x400] =	vst v63  }
0x26: {  	p1 =	sge.u32 s31, s8  }
.Ltmp2:
0x27: {  	_ = 	snop;
	(pc) =	sbr.rel @p1 .LBB2_5-.Ltmp2, $1  }
0x28: {  	_ =	sdelay $0x3  }
0x29: {  	s14 =	simm.s32 $0x1  }
0x2a: {  	_ =	swait.ge [sflag:s7], $0x100;
	s14 =	simm.s32 @!p0 $0x0  }
0x2b: {  	[sflag:s7] =	ssyncset.done $0x0;
	s14 =	sshll.u32 s14, $0x8  }
0x2c: {  	[sflag:s7] =	ssyncadd.s32 $0xFFFFFF00;
	(ifvalue) =	ssetifvalue $0x7FFFFFFF;
	v0 =	vld.msk [tilespmem:s14+$0x0 ss:$0x1], $0xffff;
	_ =	sdelay $0x4  }
0x2d: {  	s15 =	sadd.s32 $0x10, s14;
	vm1 =	vgt.s32 v0, $0x0  }
0x2e: {  	v2 =	vld.msk [tilespmem:s15+$0x0 ss:$0x1], $0xffff;
	v1 =	vnsel vm1, $0x0, v0  }
0x2f: {  	v1 =	vmin.u32 v1, $0x3FFF;
	_ =	sdelay $0x1  }
0x30: {  	s16 =	sshll.u32 s12, $0x8;
	s18 =	simm.s32 $0x20  }
0x31: {  	s16 =	sand.u32 $0x100, s16;
	s17 =	sadd.s32 $0x10, s15;
	s15 =	sor.u32 $0x200, s14  }
0x32: {  	s14 =	sor.u32 $0x200, s16;
	s16 =	sadd.s32 $0x10, s15;
	v0 =	vld.msk [tilespmem:s17+$0x0 ss:$0x1], $0xffff;
	vm1 =	vgt.s32 v2, $0x0;
	(ifvalue) =	ssetifvalue $0x7FFFFFFF  }
.LBB2_3:
0x33: {  	[tilespmem:s15], [sflag:$0x1] =	stream.indirect_vreg.gather [hbm4b:s2+s10], $0x1, v1, vm0, $0x4038;
	[tilespmem:$0x400] =	vst v63  }
0x34: {  	s18 =	sadd.s32 $0x10, s18  }
0x35: {  	v2 =	vnsel vm1, $0x0, v2;
	p1 =	slt.u32 s18, $0xF0  }
.Ltmp3:
0x36: {  	s15 =	smov.u32 s16;
	v1 =	vmin.u32 v2, $0x3FFF;
	(pc) =	sbr.rel @p1 .LBB2_3-.Ltmp3, $3  }
0x37: {  	_ =	sdelay $0x1  }
0x38: {  	s17 =	sadd.s32 $0x10, s17  }
0x39: {  	vm1 =	vgt.s32 v0, $0x0;
	s16 =	sadd.s32 $0x10, s16;
	v2 =	vmov v0;
	(ifvalue) =	ssetifvalue $0x7FFFFFFF;
	v0 =	vld.msk [tilespmem:s17+$0x0 ss:$0x1], $0xffff  }
.Ltmp4:
0x3a: {  	_ = 	snop;
	(pc) =	sbr.rel .LBB2_4-.Ltmp4, $1  }
0x3b: {  	_ =	sdelay $0x3  }
.LBB2_6:
0x3c: {  	_ =	sfence.sel $0x180000  }
0x3d: {  	s2 =	simm.s32 $0x2;
	[bflag:$0x0] =	sbarrier.arrive $0xFFFF  }
0x3e: {  	s30 =	simm.s32 $0x3;
	[sflag:s2] =	ssyncpa.u1 $0x1  }
0x3f: {  	s31 =	simm.s32 $0x1;
	[sflag:s30] =	ssyncpa.u1 $0x1  }
0x40: {  	[sflag:s31] =	ssyncpa.u1 $0x1  }
0x41: {  	p0 =	sne.s32 s1, $0x0;
	_ =	strace $0x90000050  }
0x42: {  	s0 =	sadd.s32 @!p0 $0x100000, s0;
	[bflag:$0x2] =	sbarrier.arrive $0xFFFF  }
0x43: {  	[sflag:s0] =	ssyncadd.tile.s32 @!p0 $0x1;
	_ =	shalt  }
.Lfunc_end2:
_tile_overlayer_lowered:
.L_overlay_start_2:
0x44: {  	(tag) =	ssettag $0x2  }
0x45: {  	s0 =	rddreg [dreg:$0x0];
	s2 =	stileid.u32  }
0x46: {  	s1 =	rddreg [dreg:$0x1];
	p0 =	sne.s32 s2, $0x0  }
0x47: {  	s3 =	rddreg [dreg:$0x2];
	[bflag:$0x3] =	sbarrier.arrive $0xFFFF;
	s2 =	simm.s32 @!p0 $0x1C01  }
0x48: {  	[timem:s3], [sflag:s2] =	dma.local @!p0 [hbm:s0], s1  }
0x49: {  	s0 =	simm.s32 @!p0 $0x1  }
0x4a: {  	_ =	swait.ge @!p0 [sflag:s0], s1  }
0x4b: {  	s1 =	ssub.s32 @!p0 $0x0, s1;
	[sflag:s0] =	ssyncset.done @!p0 $0x0  }
0x4c: {  	[sflag:s0] =	ssyncadd.s32 @!p0 s1  }
0x4d: {  	[bflag:$0x3] =	sbarrier.arrive $0xFFFF  }
0x4e: {  	_ =	shalt  }

// kernel: gather_offload_async_start
scs
__scs_entry_jumppad:
0x0: {  	(pc) =	sbr.rel $0x88, $3  }
0x1: {  	(tag) =	ssettag $0x0;
	lr =	simm.s32 $0x1  }
0x2: {  	[smem:$0x3F9A] =	sst lr;
	_ =	strace $0xD0000000  }
0x3: {  	_ = 	snop  }
0x4: {  	_ = 	snop  }
0x5: {  	_ = 	snop  }
0x6: {  	_ = 	snop  }
0x7: {  	_ = 	snop  }
__scs_overlays_trampoline_lowered:
0x8: {  	[smem:$0x3FA9] =	sst s0  }
0x9: {  	[smem:$0x3FAA] =	sst s1  }
0xa: {  	[smem:$0x3FAB] =	sst s2  }
0xb: {  	[smem:$0x3FAC] =	sst s3  }
0xc: {  	[smem:$0x3FAD] =	sst s4  }
0xd: {  	[smem:$0x3FAE] =	sst s5  }
0xe: {  	[smem:$0x3FAF] =	sst s6  }
0xf: {  	[smem:$0x3FB0] =	sst s7  }
0x10: {  	[smem:$0x3FB1] =	sst s8  }
0x11: {  	[smem:$0x3FB2] =	sst s9;
	s0 =	simm.s32 @!p0 $0x0  }
0x12: {  	s1 =	sld [smem:$0x3F98];
	s0 =	simm.s32 @p0 $0x1  }
0x13: {  	[smem:$0x3FB3] =	sst s0;
	s0 =	simm.s32 @!p1 $0x0  }
0x14: {  	s2 =	sld [smem:$0x3F97];
	s0 =	simm.s32 @p1 $0x1  }
0x15: {  	[smem:$0x3FB4] =	sst s0;
	s0 =	simm.s32 @!p2 $0x0  }
0x16: {  	s3 =	sld [smem:$0x3FDB];
	s0 =	simm.s32 @p2 $0x1  }
0x17: {  	s4 =	simm.s32 $0x1BF5;
	[smem:$0x3FB6] =	sst s0  }
0x18: {  	s0 =	sld [smem:$0x3F99];
	_ =	swait.ge [sflag:s4], $0x0  }
0x19: {  	s7 =	sld [smem:$0x3F9A]  }
0x1a: {  	s8 =	sadd.s32 $0xFFFFE003, lr  }
0x1b: {  	s9 =	sadd.s32 $0xFFFFFEF7, lr;
	s5 =	simm.s32 $0xFFFFFFFF;
	p2 =	slt.u32 s8, $0xFFFFF086  }
0x1c: {  	p1 =	slt.u32 s9, $0xF7A;
	s5 =	simm.s32 @!p2 $0x0  }
0x1d: {  	s5 =	simm.s32 @p1 $0x1;
	p0 =	seq.s32 s7, s2  }
0x1e: {  	s7 =	smul.u32 @!p0 $0xF7A, s2;
	p2 =	seq.s32 @!p0 s5, $0x0  }
0x1f: {  	s9 =	smul.u32 $0xF7A, s1;
	s8 =	simm.s32 @!p0 $0x1BF5;
	p2 =	por !p2, p0  }
0x20: {  	[sflag:s8] =	ssyncset.s32 @!p0 $0xFFFFF086;
	s6 =	sadd.s32 @!p0 s3, s7;
	s7 =	simm.s32 @!p0 $0x108  }
0x21: {  	s3 =	sadd.s32 s3, s9;
	s6 =	sadd.s32 @!p0 $0x88, s6;
	s7 =	simm.s32 @p2 $0x1082  }
0x22: {  	[simem:s7], [sflag:s8] =	dma.local @!p0 [hbm:s6], $0xF7A  }
0x23: {  	s9 =	sor.u32 $0xD0000000, s2;
	s6 =	simm.s32 $0x108;
	_ =	swait.ge @!p0 [sflag:s8], $0x0  }
0x24: {  	s3 =	sadd.s32 $0x88, s3;
	s6 =	simm.s32 @!p1 $0x1082;
	[sflag:s4] =	ssyncset.s32 $0xFFFFF086  }
0x25: {  	[simem:s6], [sflag:s4] =	dma.local [hbm:s3], $0xF7A  }
0x26: {  	[smem:$0x3F9A] =	sst s1;
	(tag) =	ssettag s2;
	_ =	strace s9  }
0x27: {  	s1 =	sld [smem:$0x3FAA]  }
0x28: {  	s2 =	sld [smem:$0x3FAB]  }
0x29: {  	s4 =	sld [smem:$0x3FAD]  }
0x2a: {  	p0 =	seq.s32 s5, $0x0;
	s5 =	sld [smem:$0x3FAE]  }
0x2b: {  	s6 =	sld [smem:$0x3FAF]  }
0x2c: {  	s7 =	sld [smem:$0x3FB0]  }
0x2d: {  	s3 =	simm.s32 $0x108;
	s8 =	sld [smem:$0x3FB1]  }
0x2e: {  	s3 =	simm.s32 @!p0 $0x1082;
	s9 =	sld [smem:$0x3FB2]  }
0x2f: {  	lr =	sadd.s32 s0, s3;
	s0 =	sld [smem:$0x3FA9]  }
0x30: {  	s3 =	sld [smem:$0x3FAC]  }
0x31: {  	[smem:$0x3FB5] =	sst s10  }
0x32: {  	s10 =	sld [smem:$0x3FB3];
	_ =	sdelay $0x3  }
0x33: {  	p0 =	seq.s32 s10, $0x1;
	s10 =	sld [smem:$0x3FB5];
	_ =	sdelay $0x3  }
0x34: {  	[smem:$0x3FB5] =	sst s10  }
0x35: {  	s10 =	sld [smem:$0x3FB4];
	_ =	sdelay $0x3  }
0x36: {  	p1 =	seq.s32 s10, $0x1;
	s10 =	sld [smem:$0x3FB5];
	_ =	sdelay $0x3  }
0x37: {  	[smem:$0x3FB5] =	sst s10  }
0x38: {  	s10 =	sld [smem:$0x3FB6]  }
0x39: {  	_ = 	snop;
	(pc) =	sbr.ind lr, $3  }
0x3a: {  	_ = 	snop  }
0x3b: {  	_ = 	snop  }
0x3c: {  	p2 =	seq.s32 s10, $0x1;
	s10 =	sld [smem:$0x3FB5]  }
0x3d: {  	_ =	shalt  }
0x3e: {  	_ =	shalt  }
0x3f: {  	_ =	shalt  }
0x40: {  	_ =	shalt  }
0x41: {  	_ =	shalt  }
0x42: {  	_ =	shalt  }
0x43: {  	_ =	shalt  }
0x44: {  	_ =	shalt  }
0x45: {  	_ =	shalt  }
0x46: {  	_ =	shalt  }
0x47: {  	_ =	shalt  }
0x48: {  	_ =	shalt  }
0x49: {  	_ =	shalt  }
0x4a: {  	_ =	shalt  }
0x4b: {  	_ =	shalt  }
0x4c: {  	_ =	shalt  }
0x4d: {  	_ =	shalt  }
0x4e: {  	_ =	shalt  }
0x4f: {  	_ =	shalt  }
0x50: {  	_ =	shalt  }
0x51: {  	_ =	shalt  }
0x52: {  	_ =	shalt  }
0x53: {  	_ =	shalt  }
0x54: {  	_ =	shalt  }
0x55: {  	_ =	shalt  }
0x56: {  	_ =	shalt  }
0x57: {  	_ =	shalt  }
0x58: {  	_ =	shalt  }
0x59: {  	_ =	shalt  }
0x5a: {  	_ =	shalt  }
0x5b: {  	_ =	shalt  }
0x5c: {  	_ =	shalt  }
0x5d: {  	_ =	shalt  }
0x5e: {  	_ =	shalt  }
0x5f: {  	_ =	shalt  }
0x60: {  	_ =	shalt  }
0x61: {  	_ =	shalt  }
0x62: {  	_ =	shalt  }
0x63: {  	_ =	shalt  }
0x64: {  	_ =	shalt  }
0x65: {  	_ =	shalt  }
0x66: {  	_ =	shalt  }
0x67: {  	_ =	shalt  }
0x68: {  	_ =	shalt  }
0x69: {  	_ =	shalt  }
0x6a: {  	_ =	shalt  }
0x6b: {  	_ =	shalt  }
0x6c: {  	_ =	shalt  }
0x6d: {  	_ =	shalt  }
0x6e: {  	_ =	shalt  }
0x6f: {  	_ =	shalt  }
0x70: {  	_ =	shalt  }
0x71: {  	_ =	shalt  }
0x72: {  	_ =	shalt  }
0x73: {  	_ =	shalt  }
0x74: {  	_ =	shalt  }
0x75: {  	_ =	shalt  }
0x76: {  	_ =	shalt  }
0x77: {  	_ =	shalt  }
0x78: {  	_ =	shalt  }
0x79: {  	_ =	shalt  }
0x7a: {  	_ =	shalt  }
0x7b: {  	_ =	shalt  }
0x7c: {  	_ =	shalt  }
0x7d: {  	_ =	shalt  }
0x7e: {  	_ =	shalt  }
0x7f: {  	_ =	shalt  }
0x80: {  	_ =	shalt  }
0x81: {  	_ =	shalt  }
0x82: {  	_ =	shalt  }
0x83: {  	_ =	shalt  }
0x84: {  	_ =	shalt  }
0x85: {  	_ =	shalt  }
0x86: {  	_ =	shalt  }
0x87: {  	_ =	shalt  }
.Lfunc_end0:
.L_simem_size_0:
called_computation_lowered:
.L_overlay_start_0:
0x88: {  	s2 =	sld [smem:$0x3FD9]  }
0x89: {  	s3 =	sld [smem:$0x3FFE];
	_ =	sdelay $0x1  }
0x8a: {  	s1 =	srdreg.scid  }
0x8b: {  	s0 =	sand.u32 $0x1, s1  }
0x8c: {  	s14 =	sshll.u32 s0, $0xA;
	s2 =	sadd.s32 s3, s2  }
0x8d: {  	s2 =	sadd.s32 s2, s14  }
0x8e: {  	[smem:$0x3FC1] =	sst s2  }
0x8f: {  	_ = 	snop  }
0x90: {  	s2 =	sld [smem:$0x3FD0];
	_ =	sdelay $0x2  }
0x91: {  	s4 =	simm.s32 $0xB;
	s5 =	simm.s32 $0x10;
	s15 =	sld [smem:$0x3FC9]  }
0x92: {  	[smem:s5], [sflag:s4] =	dma.local [hbm:s2], $0x1  }
0x93: {  	_ =	swait.eq [sflag:s4], $0x1  }
0x94: {  	[sflag:s4] =	ssyncset.done $0x0  }
0x95: {  	[sflag:s4] =	ssyncadd.s32 $0xFFFFFFFF  }
0x96: {  	s16 =	sld [smem:$0x11];
	(tm) =	ssettm $0x1  }
0x97: {  	s17 =	sld [smem:$0x3FFB];
	_ =	sdelay $0x3  }
0x98: {  	_ =	strace s17  }
0x99: {  	s4 =	sld [smem:$0x3FFC];
	_ =	sdelay $0x3  }
0x9a: {  	_ =	strace s4  }
0x9b: {  	s4 =	sld [smem:$0x3FFD];
	_ =	sdelay $0x3  }
0x9c: {  	_ =	strace s4  }
0x9d: {  	_ =	strace $0x8FFFFFFF  }
0x9e: {  	s18 =	sld [smem:$0x3FDB];
	_ =	sdelay $0x1  }
0x9f: {  	s19 =	simm.s32 $_scs_section_size  }
0xa0: {  	s6 =	simm.s32 $_size__tile_overlayer_lowered;
	s7 =	simm.s32 $_tile_overlayer_lowered  }
0xa1: {  	s22 =	simm.s32 $0x1BFF;
	s21 =	sshll.u32 s7, $0x1;
	s4 =	sadd.s32 s19, s18  }
0xa2: {  	s8 =	simm.s32 $0x0;
	s20 =	sshll.u32 s6, $0x1;
	s6 =	sadd.s32 s21, s4  }
0xa3: {  	[timem:s8], [sflag:s22] =	dma.local [hbm:s6], s20  }
0xa4: {  	_ =	swait.ge [sflag:s22], s20  }
0xa5: {  	s5 =	ssub.s32 $0x0, s20;
	[sflag:s22] =	ssyncset.done $0x0  }
0xa6: {  	[sflag:s22] =	ssyncadd.s32 s5;
	_ =	sdelay $0x1  }
0xa7: {  	s23 =	simm.s32 $0x1B8B  }
0xa8: {  	_ =	swait.ge [sflag:s23], $0x1  }
0xa9: {  	[sflag:s23] =	ssyncset.done $0x0  }
0xaa: {  	s25 =	simm.s32 $0x1B8E;
	s24 =	sld [smem:$0x3FFE];
	[sflag:s23] =	ssyncadd.s32 $0xFFFFFFFF  }
0xab: {  	s26 =	simm.s32 $execute0_lowered;
	[smem:$0x3FD2] =	sst s25  }
0xac: {  	s6 =	sshll.u32 s26, $0x1;
	_ =	strace $0x80000046;
	[dreg:$0x1] =	wrdreg $0xFFFFFFFF  }
0xad: {  	s28 =	simm.s32 $_size_execute0_lowered;
	s4 =	sadd.s32 s4, s6;
	[dreg:$0x0] =	wrdreg $0x0  }
0xae: {  	s6 =	sshll.u32 s28, $0x1;
	[dreg:$0x2] =	wrdreg s4  }
0xaf: {  	[dreg:$0x3] =	wrdreg s6  }
0xb0: {  	[dreg:$0x4] =	wrdreg $0xC0  }
0xb1: {  	_ =	task [dreg:s8], $0x5FFFF  }
0xb2: {  	[dreg:$0x1] =	wrdreg $0xFFFFFFFF  }
0xb3: {  	[dreg:$0x0] =	wrdreg $0x60  }
0xb4: {  	[dreg:$0x2] =	wrdreg s15  }
0xb5: {  	[dreg:$0x3] =	wrdreg s16  }
0xb6: {  	[dreg:$0x4] =	wrdreg s24  }
0xb7: {  	[dreg:$0x5] =	wrdreg $0x9  }
0xb8: {  	_ =	task.clear_ibuf [dreg:s8], $0x6FFFF;
	_ =	strace $0x90000046  }
0xb9: {  	s29 =	simm.s32 $0x9;
	_ =	strace $0x80000048  }
0xba: {  	_ =	swait.ge [sflag:s29], $0x1  }
0xbb: {  	[sflag:s29] =	ssyncadd.s32 $0xFFFFFFFF  }
0xbc: {  	_ =	strace $0x90000048  }
0xbd: {  	_ =	sfence  }
0xbe: {  	s30 =	sld [smem:$0x0];
	_ =	sdelay $0x2  }
0xbf: {  	s31 =	sshll.u32 s1, $0xD;
	s1 =	sshrl.u32 s1, $0x2  }
0xc0: {  	s3 =	sand.u32 $0x4000, s31;
	s1 =	sadd.s32 s1, s30  }
0xc1: {  	s0 =	sor.u32 s3, s0;
	s1 =	sshll.u32 s1, $0x11  }
0xc2: {  	s0 =	sor.u32 s1, s0  }
0xc3: {  	s0 =	sadd.s32 $0x8F2B, s0  }
0xc4: {  	[sflag:s0] =	ssyncadd.remote.s32 $0x1  }
0xc5: {  	_ =	sfence.sel $0xFFFF  }
0xc6: {  	[dreg:$0x0] =	wrdreg $0xFFFFFFFF;
	(pc) =	sbr.abs _section_cstart, $3  }
0xc7: {  	[dreg:$0x1] =	wrdreg $0xFFFFFFFF  }
0xc8: {  	_ =	task.clear_ibuf [dreg:s8], $0x2FFFF;
	_ =	strace $0x9FFFFFFF  }
0xc9: {  	(tm) =	ssettm $0x7FFFFFFF  }
tec
execute0_lowered:
.L_overlay_start_1:
0x0: {  	(tag) =	ssettag $0x1  }
0x1: {  	s2 =	rddreg [dreg:$0x0]  }
0x2: {  	s1 =	srdreg.scid;
	s3 =	rddreg [dreg:$0x1]  }
0x3: {  	s0 =	stileid.u32;
	s5 =	rddreg [dreg:$0x2]  }
0x4: {  	s9 =	simm.s32 $0x1;
	s10 =	simm.s32 $0x3;
	s1 =	sshll.u32 s1, $0x8  }
0x5: {  	s13 =	simm.s32 $0x0;
	s4 =	sshll.u32 s0, $0x9;
	s6 =	sand.u32 $0x100, s1  }
0x6: {  	s12 =	simm.s32 $0x0;
	s5 =	sadd.s32 $0x801000, s5;
	s4 =	sor.u32 s4, s6  }
0x7: {  	s1 =	rddreg [dreg:$0x3];
	_ =	strace $0x80000047;
	s8 =	ssub.s32 $0x4000, s4  }
.Ltmp0:
0x8: {  	s6 =	simm.s32 $0x1;
	s7 =	sand.u32 $0x1F00, s8;
	(pc) =	sbr.rel .LBB2_1-.Ltmp0, $4  }
0x9: {  	[sflag:s6] =	ssyncpa.u1 $0x0;
	s11 =	smov.u32 s4;
	p0 =	sne.s32 s7, $0x0  }
0xa: {  	s8 =	sshrl.u32 s8, $0xD;
	s7 =	simm.s32 $0x2;
	s9 =	simm.s32 @!p0 $0x0  }
0xb: {  	[sflag:s7] =	ssyncpa.u1 $0x0;
	p0 =	por $0x0, $0x0;
	s8 =	sadd.s32 s9, s8  }
0xc: {  	vm0 =	vmmov $0xffff;
	[sflag:s10] =	ssyncpa.u1 $0x0;
	s10 =	simm.s32 $0x0;
	s9 =	sadd.s32 $0x1, s8  }
.LBB2_4:
0xd: {  	v2 =	vnsel vm1, $0x0, v2  }
0xe: {  	vm1 =	vgt.s32 v0, $0x0;
	v2 =	vmin.u32 v2, $0x3FFF  }
0xf: {  	v0 =	vnsel vm1, $0x0, v0  }
0x10: {  	v0 =	vmin.u32 v0, $0x3FFF  }
0x11: {  	[tilespmem:s15], [sflag:$0x1] =	stream.indirect_vreg.gather [hbm4b:s2+s10], $0x1, v1, vm0, $0x4038;
	[tilespmem:$0x400] =	vst v63  }
0x12: {  	(ifvalue) =	ssetifvalue $0x7FFFFFFF  }
0x13: {  	[tilespmem:s16], [sflag:$0x1] =	stream.indirect_vreg.gather [hbm4b:s2+s10], $0x1, v2, vm0, $0x4038;
	[tilespmem:$0x400] =	vst v63  }
0x14: {  	s29 =	sadd.s32 $0x10, s16;
	(ifvalue) =	ssetifvalue $0x7FFFFFFF  }
0x15: {  	[tilespmem:s29], [sflag:$0x1] =	stream.indirect_vreg.gather [hbm4b:s2+s10], $0x1, v0, vm0, $0x4038;
	[tilespmem:$0x400] =	vst v63  }
0x16: {  	_ =	swait.ge [sflag:s6], $0x100  }
0x17: {  	s30 =	sshrl.u32 s13, $0x3;
	[sflag:s6] =	ssyncset.done $0x0  }
0x18: {  	s31 =	sand.u32 $0x7, s13;
	s15 =	sadd.s32 s5, s30;
	[sflag:s6] =	ssyncadd.s32 $0xFFFFFF00  }
0x19: {  	[hbm4b:s15+s31] =	stream.linear.scatter [tilespmem:s14], [sflag:$0x3], $0x100, $0x38;
	[tilespmem:$0x400] =	vst v63  }
.LBB2_5:
0x1a: {  	s15 =	sadd.s32 $0x2000, s11  }
0x1b: {  	p2 =	sgt.s32 s15, $0x3FFF  }
0x1c: {  	s15 =	smov.u32 @p2 s4;
	p2 =	sne.s32 s12, s9  }
.Ltmp1:
0x1d: {  	p1 =	slt.u32 s12, $0x2;
	(pc) =	sbr.rel @!p2 .LBB2_6-.Ltmp1, $4  }
0x1e: {  	s14 =	simm.s32 @!p1 $0x3  }
0x1f: {  	s16 =	sadd.s32 $0x1, s12;
	_ =	swait.ge @!p1 [sflag:s14], $0x100  }
0x20: {  	s13 =	smov.u32 s11;
	p0 =	por !p0, !p0;
	[sflag:s14] =	ssyncset.done @!p1 $0x0  }
0x21: {  	s12 =	smov.u32 s16;
	s11 =	smov.u32 s15;
	[sflag:s14] =	ssyncadd.s32 @!p1 $0xFFFFFF00  }
.LBB2_1:
0x22: {  	p1 =	sge.u32 s12, s8  }
0x23: {  	s14 =	sxor.u32 @!p1 $0xFFFFFFFF, s12  }
0x24: {  	s31 =	sadd.s32 $0xFFFFFFFF, s12;
	s15 =	sshrl.u32 @!p1 s11, $0x3;
	s14 =	sshll.u32 @!p1 s14, $0x8  }
0x25: {  	s16 =	sand.u32 @!p1 $0x7, s11;
	s15 =	sadd.s32 @!p1 s3, s15;
	s14 =	sand.u32 @!p1 $0x100, s14  }
0x26: {  	[tilespmem:s14], [sflag:$0x2] =	stream.linear.gather @!p1 [hbm4b:s15+s16], $0x100, $0x38;
	[tilespmem:$0x400] =	vst v63  }
0x27: {  	p1 =	sge.u32 s31, s8  }
.Ltmp2:
0x28: {  	_ = 	snop;
	(pc) =	sbr.rel @p1 .LBB2_5-.Ltmp2, $1  }
0x29: {  	_ =	sdelay $0x3  }
0x2a: {  	s14 =	simm.s32 $0x1  }
0x2b: {  	_ =	swait.ge [sflag:s7], $0x100;
	s14 =	simm.s32 @!p0 $0x0  }
0x2c: {  	[sflag:s7] =	ssyncset.done $0x0;
	s14 =	sshll.u32 s14, $0x8  }
0x2d: {  	[sflag:s7] =	ssyncadd.s32 $0xFFFFFF00;
	(ifvalue) =	ssetifvalue $0x7FFFFFFF;
	v0 =	vld.msk [tilespmem:s14+$0x0 ss:$0x1], $0xffff;
	_ =	sdelay $0x4  }
0x2e: {  	s15 =	sadd.s32 $0x10, s14;
	vm1 =	vgt.s32 v0, $0x0  }
0x2f: {  	v2 =	vld.msk [tilespmem:s15+$0x0 ss:$0x1], $0xffff;
	v1 =	vnsel vm1, $0x0, v0  }
0x30: {  	v1 =	vmin.u32 v1, $0x3FFF;
	_ =	sdelay $0x1  }
0x31: {  	s16 =	sshll.u32 s12, $0x8;
	s18 =	simm.s32 $0x20  }
0x32: {  	s16 =	sand.u32 $0x100, s16;
	s17 =	sadd.s32 $0x10, s15;
	s15 =	sor.u32 $0x200, s14  }
0x33: {  	s14 =	sor.u32 $0x200, s16;
	s16 =	sadd.s32 $0x10, s15;
	v0 =	vld.msk [tilespmem:s17+$0x0 ss:$0x1], $0xffff;
	vm1 =	vgt.s32 v2, $0x0;
	(ifvalue) =	ssetifvalue $0x7FFFFFFF  }
.LBB2_3:
0x34: {  	[tilespmem:s15], [sflag:$0x1] =	stream.indirect_vreg.gather [hbm4b:s2+s10], $0x1, v1, vm0, $0x4038;
	[tilespmem:$0x400] =	vst v63  }
0x35: {  	s18 =	sadd.s32 $0x10, s18  }
0x36: {  	v2 =	vnsel vm1, $0x0, v2;
	p1 =	slt.u32 s18, $0xF0  }
.Ltmp3:
0x37: {  	s15 =	smov.u32 s16;
	v1 =	vmin.u32 v2, $0x3FFF;
	(pc) =	sbr.rel @p1 .LBB2_3-.Ltmp3, $3  }
0x38: {  	_ =	sdelay $0x1  }
0x39: {  	s17 =	sadd.s32 $0x10, s17  }
0x3a: {  	vm1 =	vgt.s32 v0, $0x0;
	s16 =	sadd.s32 $0x10, s16;
	v2 =	vmov v0;
	(ifvalue) =	ssetifvalue $0x7FFFFFFF;
	v0 =	vld.msk [tilespmem:s17+$0x0 ss:$0x1], $0xffff  }
.Ltmp4:
0x3b: {  	_ = 	snop;
	(pc) =	sbr.rel .LBB2_4-.Ltmp4, $1  }
0x3c: {  	_ =	sdelay $0x3  }
.LBB2_6:
0x3d: {  	_ =	sfence.sel $0x180000  }
0x3e: {  	s2 =	simm.s32 $0x2;
	[bflag:$0x0] =	sbarrier.arrive $0xFFFF  }
0x3f: {  	s30 =	simm.s32 $0x3;
	[sflag:s2] =	ssyncpa.u1 $0x1  }
0x40: {  	s31 =	simm.s32 $0x1;
	[sflag:s30] =	ssyncpa.u1 $0x1  }
0x41: {  	[sflag:s31] =	ssyncpa.u1 $0x1  }
0x42: {  	p0 =	sne.s32 s0, $0x0;
	_ =	strace $0x90000047  }
0x43: {  	s0 =	sadd.s32 @!p0 $0x100000, s1;
	[bflag:$0x2] =	sbarrier.arrive $0xFFFF  }
0x44: {  	[sflag:s0] =	ssyncadd.tile.s32 @!p0 $0x1;
	_ =	shalt  }
.Lfunc_end2:
_tile_overlayer_lowered:
.L_overlay_start_2:
0x45: {  	(tag) =	ssettag $0x2  }
0x46: {  	s0 =	rddreg [dreg:$0x0];
	s2 =	stileid.u32  }
0x47: {  	s1 =	rddreg [dreg:$0x1];
	p0 =	sne.s32 s2, $0x0  }
0x48: {  	s3 =	rddreg [dreg:$0x2];
	[bflag:$0x3] =	sbarrier.arrive $0xFFFF;
	s2 =	simm.s32 @!p0 $0x1C01  }
0x49: {  	[timem:s3], [sflag:s2] =	dma.local @!p0 [hbm:s0], s1  }
0x4a: {  	s0 =	simm.s32 @!p0 $0x1  }
0x4b: {  	_ =	swait.ge @!p0 [sflag:s0], s1  }
0x4c: {  	s1 =	ssub.s32 @!p0 $0x0, s1;
	[sflag:s0] =	ssyncset.done @!p0 $0x0  }
0x4d: {  	[sflag:s0] =	ssyncadd.s32 @!p0 s1  }
0x4e: {  	[bflag:$0x3] =	sbarrier.arrive $0xFFFF  }
0x4f: {  	_ =	shalt  }

// kernel: kernel.10.cloned.1.call-start
scs
__scs_entry_jumppad:
0x0: {  	(pc) =	sbr.rel $0x88, $3  }
0x1: {  	(tag) =	ssettag $0x0;
	lr =	simm.s32 $0x1  }
0x2: {  	[smem:$0x3F9A] =	sst lr;
	_ =	strace $0xD0000000  }
0x3: {  	_ = 	snop  }
0x4: {  	_ = 	snop  }
0x5: {  	_ = 	snop  }
0x6: {  	_ = 	snop  }
0x7: {  	_ = 	snop  }
__scs_overlays_trampoline_lowered:
0x8: {  	[smem:$0x3FA9] =	sst s0  }
0x9: {  	[smem:$0x3FAA] =	sst s1  }
0xa: {  	[smem:$0x3FAB] =	sst s2  }
0xb: {  	[smem:$0x3FAC] =	sst s3  }
0xc: {  	[smem:$0x3FAD] =	sst s4  }
0xd: {  	[smem:$0x3FAE] =	sst s5  }
0xe: {  	[smem:$0x3FAF] =	sst s6  }
0xf: {  	[smem:$0x3FB0] =	sst s7  }
0x10: {  	[smem:$0x3FB1] =	sst s8  }
0x11: {  	[smem:$0x3FB2] =	sst s9;
	s0 =	simm.s32 @!p0 $0x0  }
0x12: {  	s1 =	sld [smem:$0x3F98];
	s0 =	simm.s32 @p0 $0x1  }
0x13: {  	[smem:$0x3FB3] =	sst s0;
	s0 =	simm.s32 @!p1 $0x0  }
0x14: {  	s2 =	sld [smem:$0x3F97];
	s0 =	simm.s32 @p1 $0x1  }
0x15: {  	[smem:$0x3FB4] =	sst s0;
	s0 =	simm.s32 @!p2 $0x0  }
0x16: {  	s3 =	sld [smem:$0x3FDB];
	s0 =	simm.s32 @p2 $0x1  }
0x17: {  	s4 =	simm.s32 $0x1BF5;
	[smem:$0x3FB6] =	sst s0  }
0x18: {  	s0 =	sld [smem:$0x3F99];
	_ =	swait.ge [sflag:s4], $0x0  }
0x19: {  	s7 =	sld [smem:$0x3F9A]  }
0x1a: {  	s8 =	sadd.s32 $0xFFFFE003, lr  }
0x1b: {  	s9 =	sadd.s32 $0xFFFFFEF7, lr;
	s5 =	simm.s32 $0xFFFFFFFF;
	p2 =	slt.u32 s8, $0xFFFFF086  }
0x1c: {  	p1 =	slt.u32 s9, $0xF7A;
	s5 =	simm.s32 @!p2 $0x0  }
0x1d: {  	s5 =	simm.s32 @p1 $0x1;
	p0 =	seq.s32 s7, s2  }
0x1e: {  	s7 =	smul.u32 @!p0 $0xF7A, s2;
	p2 =	seq.s32 @!p0 s5, $0x0  }
0x1f: {  	s9 =	smul.u32 $0xF7A, s1;
	s8 =	simm.s32 @!p0 $0x1BF5;
	p2 =	por !p2, p0  }
0x20: {  	[sflag:s8] =	ssyncset.s32 @!p0 $0xFFFFF086;
	s6 =	sadd.s32 @!p0 s3, s7;
	s7 =	simm.s32 @!p0 $0x108  }
0x21: {  	s3 =	sadd.s32 s3, s9;
	s6 =	sadd.s32 @!p0 $0x88, s6;
	s7 =	simm.s32 @p2 $0x1082  }
0x22: {  	[simem:s7], [sflag:s8] =	dma.local @!p0 [hbm:s6], $0xF7A  }
0x23: {  	s9 =	sor.u32 $0xD0000000, s2;
	s6 =	simm.s32 $0x108;
	_ =	swait.ge @!p0 [sflag:s8], $0x0  }
0x24: {  	s3 =	sadd.s32 $0x88, s3;
	s6 =	simm.s32 @!p1 $0x1082;
	[sflag:s4] =	ssyncset.s32 $0xFFFFF086  }
0x25: {  	[simem:s6], [sflag:s4] =	dma.local [hbm:s3], $0xF7A  }
0x26: {  	[smem:$0x3F9A] =	sst s1;
	(tag) =	ssettag s2;
	_ =	strace s9  }
0x27: {  	s1 =	sld [smem:$0x3FAA]  }
0x28: {  	s2 =	sld [smem:$0x3FAB]  }
0x29: {  	s4 =	sld [smem:$0x3FAD]  }
0x2a: {  	p0 =	seq.s32 s5, $0x0;
	s5 =	sld [smem:$0x3FAE]  }
0x2b: {  	s6 =	sld [smem:$0x3FAF]  }
0x2c: {  	s7 =	sld [smem:$0x3FB0]  }
0x2d: {  	s3 =	simm.s32 $0x108;
	s8 =	sld [smem:$0x3FB1]  }
0x2e: {  	s3 =	simm.s32 @!p0 $0x1082;
	s9 =	sld [smem:$0x3FB2]  }
0x2f: {  	lr =	sadd.s32 s0, s3;
	s0 =	sld [smem:$0x3FA9]  }
0x30: {  	s3 =	sld [smem:$0x3FAC]  }
0x31: {  	[smem:$0x3FB5] =	sst s10  }
0x32: {  	s10 =	sld [smem:$0x3FB3];
	_ =	sdelay $0x3  }
0x33: {  	p0 =	seq.s32 s10, $0x1;
	s10 =	sld [smem:$0x3FB5];
	_ =	sdelay $0x3  }
0x34: {  	[smem:$0x3FB5] =	sst s10  }
0x35: {  	s10 =	sld [smem:$0x3FB4];
	_ =	sdelay $0x3  }
0x36: {  	p1 =	seq.s32 s10, $0x1;
	s10 =	sld [smem:$0x3FB5];
	_ =	sdelay $0x3  }
0x37: {  	[smem:$0x3FB5] =	sst s10  }
0x38: {  	s10 =	sld [smem:$0x3FB6]  }
0x39: {  	_ = 	snop;
	(pc) =	sbr.ind lr, $3  }
0x3a: {  	_ = 	snop  }
0x3b: {  	_ = 	snop  }
0x3c: {  	p2 =	seq.s32 s10, $0x1;
	s10 =	sld [smem:$0x3FB5]  }
0x3d: {  	_ =	shalt  }
0x3e: {  	_ =	shalt  }
0x3f: {  	_ =	shalt  }
0x40: {  	_ =	shalt  }
0x41: {  	_ =	shalt  }
0x42: {  	_ =	shalt  }
0x43: {  	_ =	shalt  }
0x44: {  	_ =	shalt  }
0x45: {  	_ =	shalt  }
0x46: {  	_ =	shalt  }
0x47: {  	_ =	shalt  }
0x48: {  	_ =	shalt  }
0x49: {  	_ =	shalt  }
0x4a: {  	_ =	shalt  }
0x4b: {  	_ =	shalt  }
0x4c: {  	_ =	shalt  }
0x4d: {  	_ =	shalt  }
0x4e: {  	_ =	shalt  }
0x4f: {  	_ =	shalt  }
0x50: {  	_ =	shalt  }
0x51: {  	_ =	shalt  }
0x52: {  	_ =	shalt  }
0x53: {  	_ =	shalt  }
0x54: {  	_ =	shalt  }
0x55: {  	_ =	shalt  }
0x56: {  	_ =	shalt  }
0x57: {  	_ =	shalt  }
0x58: {  	_ =	shalt  }
0x59: {  	_ =	shalt  }
0x5a: {  	_ =	shalt  }
0x5b: {  	_ =	shalt  }
0x5c: {  	_ =	shalt  }
0x5d: {  	_ =	shalt  }
0x5e: {  	_ =	shalt  }
0x5f: {  	_ =	shalt  }
0x60: {  	_ =	shalt  }
0x61: {  	_ =	shalt  }
0x62: {  	_ =	shalt  }
0x63: {  	_ =	shalt  }
0x64: {  	_ =	shalt  }
0x65: {  	_ =	shalt  }
0x66: {  	_ =	shalt  }
0x67: {  	_ =	shalt  }
0x68: {  	_ =	shalt  }
0x69: {  	_ =	shalt  }
0x6a: {  	_ =	shalt  }
0x6b: {  	_ =	shalt  }
0x6c: {  	_ =	shalt  }
0x6d: {  	_ =	shalt  }
0x6e: {  	_ =	shalt  }
0x6f: {  	_ =	shalt  }
0x70: {  	_ =	shalt  }
0x71: {  	_ =	shalt  }
0x72: {  	_ =	shalt  }
0x73: {  	_ =	shalt  }
0x74: {  	_ =	shalt  }
0x75: {  	_ =	shalt  }
0x76: {  	_ =	shalt  }
0x77: {  	_ =	shalt  }
0x78: {  	_ =	shalt  }
0x79: {  	_ =	shalt  }
0x7a: {  	_ =	shalt  }
0x7b: {  	_ =	shalt  }
0x7c: {  	_ =	shalt  }
0x7d: {  	_ =	shalt  }
0x7e: {  	_ =	shalt  }
0x7f: {  	_ =	shalt  }
0x80: {  	_ =	shalt  }
0x81: {  	_ =	shalt  }
0x82: {  	_ =	shalt  }
0x83: {  	_ =	shalt  }
0x84: {  	_ =	shalt  }
0x85: {  	_ =	shalt  }
0x86: {  	_ =	shalt  }
0x87: {  	_ =	shalt  }
.Lfunc_end0:
.L_simem_size_0:
called_computation.4_lowered:
.L_overlay_start_0:
0x88: {  	s2 =	sld [smem:$0x3FD9]  }
0x89: {  	s3 =	sld [smem:$0x3FFE];
	_ =	sdelay $0x1  }
0x8a: {  	s1 =	srdreg.scid  }
0x8b: {  	s0 =	sand.u32 $0x1, s1  }
0x8c: {  	s16 =	sshll.u32 s0, $0xA;
	s2 =	sadd.s32 s3, s2  }
0x8d: {  	s2 =	sadd.s32 s2, s16  }
0x8e: {  	[smem:$0x3FC1] =	sst s2  }
0x8f: {  	_ = 	snop  }
0x90: {  	(tm) =	ssettm $0x1  }
0x91: {  	s17 =	sld [smem:$0x3FFB];
	_ =	sdelay $0x3  }
0x92: {  	_ =	strace s17  }
0x93: {  	s2 =	sld [smem:$0x3FFC];
	_ =	sdelay $0x3  }
0x94: {  	_ =	strace s2  }
0x95: {  	s2 =	sld [smem:$0x3FFD];
	_ =	sdelay $0x3  }
0x96: {  	_ =	strace s2  }
0x97: {  	_ =	strace $0x8FFFFFFF  }
0x98: {  	s18 =	sld [smem:$0x3FDB];
	_ =	sdelay $0x1  }
0x99: {  	s19 =	simm.s32 $_scs_section_size  }
0x9a: {  	s4 =	simm.s32 $_size__tile_overlayer_lowered;
	s5 =	simm.s32 $_tile_overlayer_lowered  }
0x9b: {  	s22 =	simm.s32 $0x1BFF;
	s21 =	sshll.u32 s5, $0x1;
	s2 =	sadd.s32 s19, s18  }
0x9c: {  	s6 =	simm.s32 $0x0;
	s20 =	sshll.u32 s4, $0x1;
	s4 =	sadd.s32 s21, s2  }
0x9d: {  	[timem:s6], [sflag:s22] =	dma.local [hbm:s4], s20  }
0x9e: {  	_ =	swait.ge [sflag:s22], s20  }
0x9f: {  	s3 =	ssub.s32 $0x0, s20;
	[sflag:s22] =	ssyncset.done $0x0  }
0xa0: {  	[sflag:s22] =	ssyncadd.s32 s3;
	_ =	sdelay $0x1  }
0xa1: {  	s23 =	simm.s32 $0x1B8B  }
0xa2: {  	_ =	swait.ge [sflag:s23], $0x1  }
0xa3: {  	[sflag:s23] =	ssyncset.done $0x0  }
0xa4: {  	s25 =	simm.s32 $0x1B8E;
	s24 =	sld [smem:$0x3FFE];
	[sflag:s23] =	ssyncadd.s32 $0xFFFFFFFF  }
0xa5: {  	s26 =	simm.s32 $execute0_lowered;
	[smem:$0x3FD2] =	sst s25  }
0xa6: {  	s4 =	sshll.u32 s26, $0x1;
	_ =	strace $0x80000052;
	[dreg:$0x1] =	wrdreg $0xFFFFFFFF  }
0xa7: {  	s28 =	simm.s32 $_size_execute0_lowered;
	s2 =	sadd.s32 s2, s4;
	[dreg:$0x0] =	wrdreg $0x0  }
0xa8: {  	s4 =	sshll.u32 s28, $0x1;
	[dreg:$0x2] =	wrdreg s2  }
0xa9: {  	[dreg:$0x3] =	wrdreg s4  }
0xaa: {  	[dreg:$0x4] =	wrdreg $0xC0  }
0xab: {  	_ =	task [dreg:s6], $0x5FFFF  }
0xac: {  	[dreg:$0x1] =	wrdreg $0xFFFFFFFF  }
0xad: {  	[dreg:$0x0] =	wrdreg $0x60  }
0xae: {  	[dreg:$0x2] =	wrdreg s24  }
0xaf: {  	[dreg:$0x3] =	wrdreg $0x9  }
0xb0: {  	_ =	task.clear_ibuf [dreg:s6], $0x4FFFF;
	_ =	strace $0x90000052  }
0xb1: {  	s29 =	simm.s32 $0x9;
	_ =	strace $0x80000054  }
0xb2: {  	_ =	swait.ge [sflag:s29], $0x1  }
0xb3: {  	[sflag:s29] =	ssyncadd.s32 $0xFFFFFFFF  }
0xb4: {  	_ =	strace $0x90000054  }
0xb5: {  	_ =	sfence  }
0xb6: {  	s30 =	sld [smem:$0x0];
	_ =	sdelay $0x2  }
0xb7: {  	s31 =	sshll.u32 s1, $0xD;
	s1 =	sshrl.u32 s1, $0x2  }
0xb8: {  	s3 =	sand.u32 $0x4000, s31;
	s1 =	sadd.s32 s1, s30  }
0xb9: {  	s0 =	sor.u32 s3, s0;
	s1 =	sshll.u32 s1, $0x11  }
0xba: {  	s0 =	sor.u32 s1, s0  }
0xbb: {  	s0 =	sadd.s32 $0x8F2B, s0  }
0xbc: {  	[sflag:s0] =	ssyncadd.remote.s32 $0x1  }
0xbd: {  	_ =	sfence.sel $0xFFFF  }
0xbe: {  	[dreg:$0x0] =	wrdreg $0xFFFFFFFF;
	(pc) =	sbr.abs _section_cstart, $3  }
0xbf: {  	[dreg:$0x1] =	wrdreg $0xFFFFFFFF  }
0xc0: {  	_ =	task.clear_ibuf [dreg:s6], $0x2FFFF;
	_ =	strace $0x9FFFFFFF  }
0xc1: {  	(tm) =	ssettm $0x7FFFFFFF  }
tec
execute0_lowered:
.L_overlay_start_1:
0x0: {  	(tag) =	ssettag $0x1  }
0x1: {  	s15 =	rddreg [dreg:$0x0];
	s2 =	srdreg.scid  }
0x2: {  	s0 =	rddreg [dreg:$0x1];
	s1 =	stileid.u32;
	s17 =	sand.u32 $0x1, s2  }
0x3: {  	s2 =	simm.s32 $0x0;
	s3 =	sshll.u32 s1, $0x7;
	s4 =	sshll.u32 s17, $0x6  }
0x4: {  	[smem:$0x7FF] =	sst s2;
	s18 =	sor.u32 s4, s3  }
0x5: {  	_ =	strace $0x80000053;
	s4 =	simm.s32 $0x2;
	s3 =	sadd.s32 s15, s18  }
0x6: {  	[tilespmem:s2], [sflag:$0x2] =	stream.linear.gather [hbm4b:s3+s2], $0x80, $0x38;
	[tilespmem:$0x2100] =	vst v63  }
0x7: {  	_ =	swait.ge [sflag:s4], $0x80  }
0x8: {  	s16 =	sadd.s32 $0x800, s15;
	[sflag:s4] =	ssyncset.done $0x0  }
0x9: {  	s6 =	simm.s32 $0x80;
	s5 =	sadd.s32 s16, s18;
	[sflag:s4] =	ssyncadd.s32 $0xFFFFFF80  }
0xa: {  	[tilespmem:s6], [sflag:$0x2] =	stream.linear.gather [hbm4b:s5+s2], $0x80, $0x38;
	[tilespmem:$0x2100] =	vst v63  }
0xb: {  	_ =	swait.ge [sflag:s4], $0x80  }
0xc: {  	s9 =	simm.s32 $0x100;
	[sflag:s4] =	ssyncset.done $0x0  }
0xd: {  	s8 =	simm.s32 $0x1;
	s7 =	sadd.s32 $0x802000, s15;
	[sflag:s4] =	ssyncadd.s32 $0xFFFFFF80  }
0xe: {  	[tilespmem:s9], [sflag:$0x1] =	stream.indirect.gather [hbm4b:s7+s6], $0x40, s6, s6, $0xb8;
	[tilespmem:$0x2100] =	vst v63  }
0xf: {  	_ =	swait.ge [sflag:s8], $0x2000  }
0x10: {  	[sflag:s8] =	ssyncset.done $0x0  }
0x11: {  	s10 =	sadd.s32 $0x1000, s15;
	[sflag:s8] =	ssyncadd.s32 $0xFFFFE000  }
0x12: {  	[hbm4b:s10+s6] =	stream.indirect.scatter [tilespmem:s9], [sflag:$0x1], $0x40, s2, s6, $0xb8;
	[tilespmem:$0x2100] =	vst v63  }
0x13: {  	_ =	swait.ge [sflag:s8], $0x2000  }
0x14: {  	s12 =	sor.u32 $0x10, s18;
	[sflag:s8] =	ssyncset.done $0x0  }
0x15: {  	s11 =	sadd.s32 s15, s12;
	[sflag:s8] =	ssyncadd.s32 $0xFFFFE000  }
0x16: {  	[tilespmem:s2], [sflag:$0x2] =	stream.linear.gather [hbm4b:s11+s2], $0x80, $0x38;
	[tilespmem:$0x2100] =	vst v63  }
0x17: {  	_ =	swait.ge [sflag:s4], $0x80  }
0x18: {  	[sflag:s4] =	ssyncset.done $0x0  }
0x19: {  	s12 =	sadd.s32 s16, s12;
	[sflag:s4] =	ssyncadd.s32 $0xFFFFFF80  }
0x1a: {  	[tilespmem:s6], [sflag:$0x2] =	stream.linear.gather [hbm4b:s12+s2], $0x80, $0x38;
	[tilespmem:$0x2100] =	vst v63  }
0x1b: {  	_ =	swait.ge [sflag:s4], $0x80  }
0x1c: {  	[sflag:s4] =	ssyncset.done $0x0  }
0x1d: {  	[sflag:s4] =	ssyncadd.s32 $0xFFFFFF80  }
0x1e: {  	[tilespmem:s9], [sflag:$0x1] =	stream.indirect.gather [hbm4b:s7+s6], $0x40, s6, s6, $0xb8;
	[tilespmem:$0x2100] =	vst v63  }
0x1f: {  	_ =	swait.ge [sflag:s8], $0x2000  }
0x20: {  	[sflag:s8] =	ssyncset.done $0x0  }
0x21: {  	[sflag:s8] =	ssyncadd.s32 $0xFFFFE000  }
0x22: {  	[hbm4b:s10+s6] =	stream.indirect.scatter [tilespmem:s9], [sflag:$0x1], $0x40, s2, s6, $0xb8;
	[tilespmem:$0x2100] =	vst v63  }
0x23: {  	_ =	swait.ge [sflag:s8], $0x2000  }
0x24: {  	s14 =	sor.u32 $0x20, s18;
	[sflag:s8] =	ssyncset.done $0x0  }
0x25: {  	s13 =	sadd.s32 s15, s14;
	[sflag:s8] =	ssyncadd.s32 $0xFFFFE000  }
0x26: {  	[tilespmem:s2], [sflag:$0x2] =	stream.linear.gather [hbm4b:s13+s2], $0x80, $0x38;
	[tilespmem:$0x2100] =	vst v63  }
0x27: {  	_ =	swait.ge [sflag:s4], $0x80  }
0x28: {  	[sflag:s4] =	ssyncset.done $0x0  }
0x29: {  	s14 =	sadd.s32 s16, s14;
	[sflag:s4] =	ssyncadd.s32 $0xFFFFFF80  }
0x2a: {  	[tilespmem:s6], [sflag:$0x2] =	stream.linear.gather [hbm4b:s14+s2], $0x80, $0x38;
	[tilespmem:$0x2100] =	vst v63  }
0x2b: {  	_ =	swait.ge [sflag:s4], $0x80  }
0x2c: {  	[sflag:s4] =	ssyncset.done $0x0  }
0x2d: {  	[sflag:s4] =	ssyncadd.s32 $0xFFFFFF80  }
0x2e: {  	[tilespmem:s9], [sflag:$0x1] =	stream.indirect.gather [hbm4b:s7+s6], $0x40, s6, s6, $0xb8;
	[tilespmem:$0x2100] =	vst v63  }
0x2f: {  	_ =	swait.ge [sflag:s8], $0x2000  }
0x30: {  	[sflag:s8] =	ssyncset.done $0x0  }
0x31: {  	[sflag:s8] =	ssyncadd.s32 $0xFFFFE000  }
0x32: {  	[hbm4b:s10+s6] =	stream.indirect.scatter [tilespmem:s9], [sflag:$0x1], $0x40, s2, s6, $0xb8;
	[tilespmem:$0x2100] =	vst v63  }
0x33: {  	_ =	swait.ge [sflag:s8], $0x2000  }
0x34: {  	s18 =	sor.u32 $0x30, s18;
	[sflag:s8] =	ssyncset.done $0x0  }
0x35: {  	s15 =	sadd.s32 s15, s18;
	[sflag:s8] =	ssyncadd.s32 $0xFFFFE000  }
0x36: {  	[tilespmem:s2], [sflag:$0x2] =	stream.linear.gather [hbm4b:s15+s2], $0x80, $0x38;
	[tilespmem:$0x2100] =	vst v63  }
0x37: {  	_ =	swait.ge [sflag:s4], $0x80  }
0x38: {  	[sflag:s4] =	ssyncset.done $0x0  }
0x39: {  	s17 =	ssub.s32 $0x2, s17;
	s16 =	sadd.s32 s16, s18;
	[sflag:s4] =	ssyncadd.s32 $0xFFFFFF80  }
0x3a: {  	[tilespmem:s6], [sflag:$0x2] =	stream.linear.gather [hbm4b:s16+s2], $0x80, $0x38;
	[tilespmem:$0x2100] =	vst v63  }
0x3b: {  	s31 =	sshrl.u32 s17, $0x1;
	_ =	swait.ge [sflag:s4], $0x80  }
0x3c: {  	s17 =	ssub.s32 s17, s31;
	[sflag:s4] =	ssyncset.done $0x0  }
0x3d: {  	s17 =	smax.u32 s17, $0x1;
	[sflag:s4] =	ssyncadd.s32 $0xFFFFFF80  }
0x3e: {  	[tilespmem:s9], [sflag:$0x1] =	stream.indirect.gather [hbm4b:s7+s6], $0x40, s6, s6, $0xb8;
	[tilespmem:$0x2100] =	vst v63  }
0x3f: {  	p0 =	sne.s32 s17, $0x1;
	_ =	swait.ge [sflag:s8], $0x2000  }
.Ltmp0:
0x40: {  	[sflag:s8] =	ssyncset.done $0x0;
	(pc) =	sbr.rel @!p0 .LBB2_2-.Ltmp0, $4  }
0x41: {  	[sflag:s8] =	ssyncadd.s32 $0xFFFFE000  }
0x42: {  	[hbm4b:s10+s6] =	stream.indirect.scatter [tilespmem:s9], [sflag:$0x1], $0x40, s2, s6, $0xb8;
	[tilespmem:$0x2100] =	vst v63  }
0x43: {  	_ =	swait.ge [sflag:s8], $0x2000  }
0x44: {  	s17 =	sadd.s32 $0xFFFFFFFF, s17;
	[sflag:s8] =	ssyncset.done $0x0  }
.LBB2_1:
0x45: {  	p0 =	sne.s32 s17, $0x1;
	s17 =	sadd.s32 $0xFFFFFFFF, s17;
	[sflag:s8] =	ssyncadd.s32 $0xFFFFE000  }
0x46: {  	[tilespmem:s2], [sflag:$0x2] =	stream.linear.gather [hbm4b:s3+s2], $0x80, $0x38;
	[tilespmem:$0x2100] =	vst v63  }
0x47: {  	_ =	swait.ge [sflag:s4], $0x80  }
0x48: {  	[sflag:s4] =	ssyncset.done $0x0  }
0x49: {  	[sflag:s4] =	ssyncadd.s32 $0xFFFFFF80  }
0x4a: {  	[tilespmem:s6], [sflag:$0x2] =	stream.linear.gather [hbm4b:s5+s2], $0x80, $0x38;
	[tilespmem:$0x2100] =	vst v63  }
0x4b: {  	_ =	swait.ge [sflag:s4], $0x80  }
0x4c: {  	[sflag:s4] =	ssyncset.done $0x0  }
0x4d: {  	[sflag:s4] =	ssyncadd.s32 $0xFFFFFF80  }
0x4e: {  	[tilespmem:s9], [sflag:$0x1] =	stream.indirect.gather [hbm4b:s7+s6], $0x40, s6, s6, $0xb8;
	[tilespmem:$0x2100] =	vst v63  }
0x4f: {  	_ =	swait.ge [sflag:s8], $0x2000  }
0x50: {  	[sflag:s8] =	ssyncset.done $0x0  }
0x51: {  	[sflag:s8] =	ssyncadd.s32 $0xFFFFE000  }
0x52: {  	[hbm4b:s10+s6] =	stream.indirect.scatter [tilespmem:s9], [sflag:$0x1], $0x40, s2, s6, $0xb8;
	[tilespmem:$0x2100] =	vst v63  }
0x53: {  	_ =	swait.ge [sflag:s8], $0x2000  }
0x54: {  	[sflag:s8] =	ssyncset.done $0x0  }
0x55: {  	[sflag:s8] =	ssyncadd.s32 $0xFFFFE000  }
0x56: {  	[tilespmem:s2], [sflag:$0x2] =	stream.linear.gather [hbm4b:s11+s2], $0x80, $0x38;
	[tilespmem:$0x2100] =	vst v63  }
0x57: {  	_ =	swait.ge [sflag:s4], $0x80  }
0x58: {  	[sflag:s4] =	ssyncset.done $0x0  }
0x59: {  	[sflag:s4] =	ssyncadd.s32 $0xFFFFFF80  }
0x5a: {  	[tilespmem:s6], [sflag:$0x2] =	stream.linear.gather [hbm4b:s12+s2], $0x80, $0x38;
	[tilespmem:$0x2100] =	vst v63  }
0x5b: {  	_ =	swait.ge [sflag:s4], $0x80  }
0x5c: {  	[sflag:s4] =	ssyncset.done $0x0  }
0x5d: {  	[sflag:s4] =	ssyncadd.s32 $0xFFFFFF80  }
0x5e: {  	[tilespmem:s9], [sflag:$0x1] =	stream.indirect.gather [hbm4b:s7+s6], $0x40, s6, s6, $0xb8;
	[tilespmem:$0x2100] =	vst v63  }
0x5f: {  	_ =	swait.ge [sflag:s8], $0x2000  }
0x60: {  	[sflag:s8] =	ssyncset.done $0x0  }
0x61: {  	[sflag:s8] =	ssyncadd.s32 $0xFFFFE000  }
0x62: {  	[hbm4b:s10+s6] =	stream.indirect.scatter [tilespmem:s9], [sflag:$0x1], $0x40, s2, s6, $0xb8;
	[tilespmem:$0x2100] =	vst v63  }
0x63: {  	_ =	swait.ge [sflag:s8], $0x2000  }
0x64: {  	[sflag:s8] =	ssyncset.done $0x0  }
0x65: {  	[sflag:s8] =	ssyncadd.s32 $0xFFFFE000  }
0x66: {  	[tilespmem:s2], [sflag:$0x2] =	stream.linear.gather [hbm4b:s13+s2], $0x80, $0x38;
	[tilespmem:$0x2100] =	vst v63  }
0x67: {  	_ =	swait.ge [sflag:s4], $0x80  }
0x68: {  	[sflag:s4] =	ssyncset.done $0x0  }
0x69: {  	[sflag:s4] =	ssyncadd.s32 $0xFFFFFF80  }
0x6a: {  	[tilespmem:s6], [sflag:$0x2] =	stream.linear.gather [hbm4b:s14+s2], $0x80, $0x38;
	[tilespmem:$0x2100] =	vst v63  }
0x6b: {  	_ =	swait.ge [sflag:s4], $0x80  }
0x6c: {  	[sflag:s4] =	ssyncset.done $0x0  }
0x6d: {  	[sflag:s4] =	ssyncadd.s32 $0xFFFFFF80  }
0x6e: {  	[tilespmem:s9], [sflag:$0x1] =	stream.indirect.gather [hbm4b:s7+s6], $0x40, s6, s6, $0xb8;
	[tilespmem:$0x2100] =	vst v63  }
0x6f: {  	_ =	swait.ge [sflag:s8], $0x2000  }
0x70: {  	[sflag:s8] =	ssyncset.done $0x0  }
0x71: {  	[sflag:s8] =	ssyncadd.s32 $0xFFFFE000  }
0x72: {  	[hbm4b:s10+s6] =	stream.indirect.scatter [tilespmem:s9], [sflag:$0x1], $0x40, s2, s6, $0xb8;
	[tilespmem:$0x2100] =	vst v63  }
0x73: {  	_ =	swait.ge [sflag:s8], $0x2000  }
0x74: {  	[sflag:s8] =	ssyncset.done $0x0  }
0x75: {  	[sflag:s8] =	ssyncadd.s32 $0xFFFFE000  }
0x76: {  	[tilespmem:s2], [sflag:$0x2] =	stream.linear.gather [hbm4b:s15+s2], $0x80, $0x38;
	[tilespmem:$0x2100] =	vst v63  }
0x77: {  	_ =	swait.ge [sflag:s4], $0x80  }
0x78: {  	[sflag:s4] =	ssyncset.done $0x0  }
0x79: {  	[sflag:s4] =	ssyncadd.s32 $0xFFFFFF80  }
0x7a: {  	[tilespmem:s6], [sflag:$0x2] =	stream.linear.gather [hbm4b:s16+s2], $0x80, $0x38;
	[tilespmem:$0x2100] =	vst v63  }
0x7b: {  	_ =	swait.ge [sflag:s4], $0x80  }
0x7c: {  	[sflag:s4] =	ssyncset.done $0x0  }
0x7d: {  	[sflag:s4] =	ssyncadd.s32 $0xFFFFFF80  }
0x7e: {  	[tilespmem:s9], [sflag:$0x1] =	stream.indirect.gather [hbm4b:s7+s6], $0x40, s6, s6, $0xb8;
	[tilespmem:$0x2100] =	vst v63  }
0x7f: {  	_ =	swait.ge [sflag:s8], $0x2000  }
.Ltmp1:
0x80: {  	[sflag:s8] =	ssyncset.done $0x0;
	(pc) =	sbr.rel @p0 .LBB2_1-.Ltmp1, $4  }
0x81: {  	[sflag:s8] =	ssyncadd.s32 $0xFFFFE000  }
0x82: {  	[hbm4b:s10+s6] =	stream.indirect.scatter [tilespmem:s9], [sflag:$0x1], $0x40, s2, s6, $0xb8;
	[tilespmem:$0x2100] =	vst v63  }
0x83: {  	_ =	swait.ge [sflag:s8], $0x2000  }
0x84: {  	[sflag:s8] =	ssyncset.done $0x0  }
.LBB2_2:
0x85: {  	[sflag:s8] =	ssyncadd.s32 $0xFFFFE000  }
0x86: {  	_ =	sfence.sel $0x180000  }
0x87: {  	[bflag:$0x0] =	sbarrier.arrive $0xFFFF  }
0x88: {  	p0 =	sne.s32 s1, $0x0;
	_ =	strace $0x90000053  }
0x89: {  	s0 =	sadd.s32 @!p0 $0x100000, s0;
	[bflag:$0x2] =	sbarrier.arrive $0xFFFF  }
0x8a: {  	[sflag:s0] =	ssyncadd.tile.s32 @!p0 $0x1;
	_ =	shalt  }
.Lfunc_end2:
_tile_overlayer_lowered:
.L_overlay_start_2:
0x8b: {  	(tag) =	ssettag $0x2  }
0x8c: {  	s0 =	rddreg [dreg:$0x0];
	s2 =	stileid.u32  }
0x8d: {  	s1 =	rddreg [dreg:$0x1];
	p0 =	sne.s32 s2, $0x0  }
0x8e: {  	s3 =	rddreg [dreg:$0x2];
	[bflag:$0x3] =	sbarrier.arrive $0xFFFF;
	s2 =	simm.s32 @!p0 $0x1C02  }
0x8f: {  	[timem:s3], [sflag:s2] =	dma.local @!p0 [hbm:s0], s1  }
0x90: {  	s0 =	simm.s32 @!p0 $0x2  }
0x91: {  	_ =	swait.ge @!p0 [sflag:s0], s1  }
0x92: {  	s1 =	ssub.s32 @!p0 $0x0, s1;
	[sflag:s0] =	ssyncset.done @!p0 $0x0  }
0x93: {  	[sflag:s0] =	ssyncadd.s32 @!p0 s1  }
0x94: {  	[bflag:$0x3] =	sbarrier.arrive $0xFFFF  }
0x95: {  	_ =	shalt  }

// kernel: kernel.7.cloned.1.call-start
scs
__scs_entry_jumppad:
0x0: {  	(pc) =	sbr.rel $0x88, $3  }
0x1: {  	(tag) =	ssettag $0x0;
	lr =	simm.s32 $0x1  }
0x2: {  	[smem:$0x3F9A] =	sst lr;
	_ =	strace $0xD0000000  }
0x3: {  	_ = 	snop  }
0x4: {  	_ = 	snop  }
0x5: {  	_ = 	snop  }
0x6: {  	_ = 	snop  }
0x7: {  	_ = 	snop  }
__scs_overlays_trampoline_lowered:
0x8: {  	[smem:$0x3FA9] =	sst s0  }
0x9: {  	[smem:$0x3FAA] =	sst s1  }
0xa: {  	[smem:$0x3FAB] =	sst s2  }
0xb: {  	[smem:$0x3FAC] =	sst s3  }
0xc: {  	[smem:$0x3FAD] =	sst s4  }
0xd: {  	[smem:$0x3FAE] =	sst s5  }
0xe: {  	[smem:$0x3FAF] =	sst s6  }
0xf: {  	[smem:$0x3FB0] =	sst s7  }
0x10: {  	[smem:$0x3FB1] =	sst s8  }
0x11: {  	[smem:$0x3FB2] =	sst s9;
	s0 =	simm.s32 @!p0 $0x0  }
0x12: {  	s1 =	sld [smem:$0x3F98];
	s0 =	simm.s32 @p0 $0x1  }
0x13: {  	[smem:$0x3FB3] =	sst s0;
	s0 =	simm.s32 @!p1 $0x0  }
0x14: {  	s2 =	sld [smem:$0x3F97];
	s0 =	simm.s32 @p1 $0x1  }
0x15: {  	[smem:$0x3FB4] =	sst s0;
	s0 =	simm.s32 @!p2 $0x0  }
0x16: {  	s3 =	sld [smem:$0x3FDB];
	s0 =	simm.s32 @p2 $0x1  }
0x17: {  	s4 =	simm.s32 $0x1BF5;
	[smem:$0x3FB6] =	sst s0  }
0x18: {  	s0 =	sld [smem:$0x3F99];
	_ =	swait.ge [sflag:s4], $0x0  }
0x19: {  	s7 =	sld [smem:$0x3F9A]  }
0x1a: {  	s8 =	sadd.s32 $0xFFFFE003, lr  }
0x1b: {  	s9 =	sadd.s32 $0xFFFFFEF7, lr;
	s5 =	simm.s32 $0xFFFFFFFF;
	p2 =	slt.u32 s8, $0xFFFFF086  }
0x1c: {  	p1 =	slt.u32 s9, $0xF7A;
	s5 =	simm.s32 @!p2 $0x0  }
0x1d: {  	s5 =	simm.s32 @p1 $0x1;
	p0 =	seq.s32 s7, s2  }
0x1e: {  	s7 =	smul.u32 @!p0 $0xF7A, s2;
	p2 =	seq.s32 @!p0 s5, $0x0  }
0x1f: {  	s9 =	smul.u32 $0xF7A, s1;
	s8 =	simm.s32 @!p0 $0x1BF5;
	p2 =	por !p2, p0  }
0x20: {  	[sflag:s8] =	ssyncset.s32 @!p0 $0xFFFFF086;
	s6 =	sadd.s32 @!p0 s3, s7;
	s7 =	simm.s32 @!p0 $0x108  }
0x21: {  	s3 =	sadd.s32 s3, s9;
	s6 =	sadd.s32 @!p0 $0x88, s6;
	s7 =	simm.s32 @p2 $0x1082  }
0x22: {  	[simem:s7], [sflag:s8] =	dma.local @!p0 [hbm:s6], $0xF7A  }
0x23: {  	s9 =	sor.u32 $0xD0000000, s2;
	s6 =	simm.s32 $0x108;
	_ =	swait.ge @!p0 [sflag:s8], $0x0  }
0x24: {  	s3 =	sadd.s32 $0x88, s3;
	s6 =	simm.s32 @!p1 $0x1082;
	[sflag:s4] =	ssyncset.s32 $0xFFFFF086  }
0x25: {  	[simem:s6], [sflag:s4] =	dma.local [hbm:s3], $0xF7A  }
0x26: {  	[smem:$0x3F9A] =	sst s1;
	(tag) =	ssettag s2;
	_ =	strace s9  }
0x27: {  	s1 =	sld [smem:$0x3FAA]  }
0x28: {  	s2 =	sld [smem:$0x3FAB]  }
0x29: {  	s4 =	sld [smem:$0x3FAD]  }
0x2a: {  	p0 =	seq.s32 s5, $0x0;
	s5 =	sld [smem:$0x3FAE]  }
0x2b: {  	s6 =	sld [smem:$0x3FAF]  }
0x2c: {  	s7 =	sld [smem:$0x3FB0]  }
0x2d: {  	s3 =	simm.s32 $0x108;
	s8 =	sld [smem:$0x3FB1]  }
0x2e: {  	s3 =	simm.s32 @!p0 $0x1082;
	s9 =	sld [smem:$0x3FB2]  }
0x2f: {  	lr =	sadd.s32 s0, s3;
	s0 =	sld [smem:$0x3FA9]  }
0x30: {  	s3 =	sld [smem:$0x3FAC]  }
0x31: {  	[smem:$0x3FB5] =	sst s10  }
0x32: {  	s10 =	sld [smem:$0x3FB3];
	_ =	sdelay $0x3  }
0x33: {  	p0 =	seq.s32 s10, $0x1;
	s10 =	sld [smem:$0x3FB5];
	_ =	sdelay $0x3  }
0x34: {  	[smem:$0x3FB5] =	sst s10  }
0x35: {  	s10 =	sld [smem:$0x3FB4];
	_ =	sdelay $0x3  }
0x36: {  	p1 =	seq.s32 s10, $0x1;
	s10 =	sld [smem:$0x3FB5];
	_ =	sdelay $0x3  }
0x37: {  	[smem:$0x3FB5] =	sst s10  }
0x38: {  	s10 =	sld [smem:$0x3FB6]  }
0x39: {  	_ = 	snop;
	(pc) =	sbr.ind lr, $3  }
0x3a: {  	_ = 	snop  }
0x3b: {  	_ = 	snop  }
0x3c: {  	p2 =	seq.s32 s10, $0x1;
	s10 =	sld [smem:$0x3FB5]  }
0x3d: {  	_ =	shalt  }
0x3e: {  	_ =	shalt  }
0x3f: {  	_ =	shalt  }
0x40: {  	_ =	shalt  }
0x41: {  	_ =	shalt  }
0x42: {  	_ =	shalt  }
0x43: {  	_ =	shalt  }
0x44: {  	_ =	shalt  }
0x45: {  	_ =	shalt  }
0x46: {  	_ =	shalt  }
0x47: {  	_ =	shalt  }
0x48: {  	_ =	shalt  }
0x49: {  	_ =	shalt  }
0x4a: {  	_ =	shalt  }
0x4b: {  	_ =	shalt  }
0x4c: {  	_ =	shalt  }
0x4d: {  	_ =	shalt  }
0x4e: {  	_ =	shalt  }
0x4f: {  	_ =	shalt  }
0x50: {  	_ =	shalt  }
0x51: {  	_ =	shalt  }
0x52: {  	_ =	shalt  }
0x53: {  	_ =	shalt  }
0x54: {  	_ =	shalt  }
0x55: {  	_ =	shalt  }
0x56: {  	_ =	shalt  }
0x57: {  	_ =	shalt  }
0x58: {  	_ =	shalt  }
0x59: {  	_ =	shalt  }
0x5a: {  	_ =	shalt  }
0x5b: {  	_ =	shalt  }
0x5c: {  	_ =	shalt  }
0x5d: {  	_ =	shalt  }
0x5e: {  	_ =	shalt  }
0x5f: {  	_ =	shalt  }
0x60: {  	_ =	shalt  }
0x61: {  	_ =	shalt  }
0x62: {  	_ =	shalt  }
0x63: {  	_ =	shalt  }
0x64: {  	_ =	shalt  }
0x65: {  	_ =	shalt  }
0x66: {  	_ =	shalt  }
0x67: {  	_ =	shalt  }
0x68: {  	_ =	shalt  }
0x69: {  	_ =	shalt  }
0x6a: {  	_ =	shalt  }
0x6b: {  	_ =	shalt  }
0x6c: {  	_ =	shalt  }
0x6d: {  	_ =	shalt  }
0x6e: {  	_ =	shalt  }
0x6f: {  	_ =	shalt  }
0x70: {  	_ =	shalt  }
0x71: {  	_ =	shalt  }
0x72: {  	_ =	shalt  }
0x73: {  	_ =	shalt  }
0x74: {  	_ =	shalt  }
0x75: {  	_ =	shalt  }
0x76: {  	_ =	shalt  }
0x77: {  	_ =	shalt  }
0x78: {  	_ =	shalt  }
0x79: {  	_ =	shalt  }
0x7a: {  	_ =	shalt  }
0x7b: {  	_ =	shalt  }
0x7c: {  	_ =	shalt  }
0x7d: {  	_ =	shalt  }
0x7e: {  	_ =	shalt  }
0x7f: {  	_ =	shalt  }
0x80: {  	_ =	shalt  }
0x81: {  	_ =	shalt  }
0x82: {  	_ =	shalt  }
0x83: {  	_ =	shalt  }
0x84: {  	_ =	shalt  }
0x85: {  	_ =	shalt  }
0x86: {  	_ =	shalt  }
0x87: {  	_ =	shalt  }
.Lfunc_end0:
.L_simem_size_0:
called_computation.3_lowered:
.L_overlay_start_0:
0x88: {  	s2 =	sld [smem:$0x3FD9]  }
0x89: {  	s3 =	sld [smem:$0x3FFE];
	_ =	sdelay $0x1  }
0x8a: {  	s1 =	srdreg.scid  }
0x8b: {  	s0 =	sand.u32 $0x1, s1  }
0x8c: {  	s15 =	sshll.u32 s0, $0xA;
	s2 =	sadd.s32 s3, s2  }
0x8d: {  	s2 =	sadd.s32 s2, s15  }
0x8e: {  	[smem:$0x3FC1] =	sst s2  }
0x8f: {  	_ = 	snop  }
0x90: {  	s2 =	sld [smem:$0x3FD0];
	_ =	sdelay $0x2  }
0x91: {  	s16 =	simm.s32 $0xB;
	s4 =	simm.s32 $0x10  }
0x92: {  	[smem:s4], [sflag:s16] =	dma.local [hbm:s2], $0x1  }
0x93: {  	_ =	swait.eq [sflag:s16], $0x1  }
0x94: {  	[sflag:s16] =	ssyncset.done $0x0  }
0x95: {  	[sflag:s16] =	ssyncadd.s32 $0xFFFFFFFF  }
0x96: {  	s17 =	sld [smem:$0x10];
	(tm) =	ssettm $0x1  }
0x97: {  	s18 =	sld [smem:$0x3FFB];
	_ =	sdelay $0x3  }
0x98: {  	_ =	strace s18  }
0x99: {  	s2 =	sld [smem:$0x3FFC];
	_ =	sdelay $0x3  }
0x9a: {  	_ =	strace s2  }
0x9b: {  	s2 =	sld [smem:$0x3FFD];
	_ =	sdelay $0x3  }
0x9c: {  	_ =	strace s2  }
0x9d: {  	_ =	strace $0x8FFFFFFF  }
0x9e: {  	s19 =	sld [smem:$0x3FDB];
	_ =	sdelay $0x1  }
0x9f: {  	s20 =	simm.s32 $_scs_section_size  }
0xa0: {  	s5 =	simm.s32 $_size__tile_overlayer_lowered;
	s6 =	simm.s32 $_tile_overlayer_lowered  }
0xa1: {  	s7 =	simm.s32 $0x1BFF;
	s21 =	sshll.u32 s6, $0x1;
	s4 =	sadd.s32 s20, s19  }
0xa2: {  	s22 =	simm.s32 $0x0;
	s5 =	sshll.u32 s5, $0x1;
	s6 =	sadd.s32 s21, s4  }
0xa3: {  	[timem:s22], [sflag:s7] =	dma.local [hbm:s6], s5  }
0xa4: {  	_ =	swait.ge [sflag:s7], s5  }
0xa5: {  	s5 =	ssub.s32 $0x0, s5;
	[sflag:s7] =	ssyncset.done $0x0  }
0xa6: {  	[sflag:s7] =	ssyncadd.s32 s5;
	_ =	sdelay $0x1  }
0xa7: {  	s23 =	simm.s32 $0x1B8B  }
0xa8: {  	_ =	swait.ge [sflag:s23], $0x1  }
0xa9: {  	[sflag:s23] =	ssyncset.done $0x0  }
0xaa: {  	[sflag:s23] =	ssyncadd.s32 $0xFFFFFFFF  }
0xab: {  	s5 =	sld [smem:$0x0]  }
0xac: {  	s6 =	sand.u32 $0xFFFFFFFE, s1  }
0xad: {  	p0 =	sne.s32 s1, s6  }
0xae: {  	s6 =	sshll.u32 @p0 s6, $0xE  }
0xaf: {  	s6 =	sadd.s32 @p0 $0x11B8D, s6;
	s7 =	sshll.u32 @p0 s5, $0x11  }
0xb0: {  	s6 =	sor.u32 @p0 s7, s6  }
0xb1: {  	[sflag:s6] =	ssyncadd.remote.s32 @p0 $0x1;
	_ =	sdelay $0x1  }
0xb2: {  	s6 =	simm.s32 @p0 $0x1B8D  }
0xb3: {  	_ =	swait.eq @p0 [sflag:s6], $0x1  }
0xb4: {  	[sflag:s6] =	ssyncadd.s32 @p0 $0xFFFFFFFF  }
0xb5: {  	s7 =	sshll.u32 @!p0 s1, $0xE  }
0xb6: {  	s7 =	sor.u32 @!p0 $0x4000, s7;
	s6 =	simm.s32 @!p0 $0x1B8D  }
0xb7: {  	s5 =	sshll.u32 @!p0 s5, $0x11;
	s7 =	sadd.s32 @!p0 $0x11B8D, s7;
	_ =	swait.eq @!p0 [sflag:s6], $0x1  }
0xb8: {  	s5 =	sor.u32 @!p0 s5, s7;
	[sflag:s6] =	ssyncadd.s32 @!p0 $0xFFFFFFFF  }
0xb9: {  	s25 =	simm.s32 $0x1B8E;
	s24 =	sld [smem:$0x3FFE];
	[sflag:s5] =	ssyncadd.remote.s32 @!p0 $0x1  }
0xba: {  	s26 =	simm.s32 $execute0_lowered;
	[smem:$0x3FD2] =	sst s25  }
0xbb: {  	s6 =	sshll.u32 s26, $0x1;
	_ =	strace $0x80000049;
	[dreg:$0x1] =	wrdreg $0xFFFFFFFF  }
0xbc: {  	s28 =	simm.s32 $_size_execute0_lowered;
	s4 =	sadd.s32 s4, s6;
	[dreg:$0x0] =	wrdreg $0x0  }
0xbd: {  	s6 =	sshll.u32 s28, $0x1;
	[dreg:$0x2] =	wrdreg s4  }
0xbe: {  	[dreg:$0x3] =	wrdreg s6  }
0xbf: {  	[dreg:$0x4] =	wrdreg $0xC0  }
0xc0: {  	_ =	task [dreg:s22], $0x5FFFF  }
0xc1: {  	[dreg:$0x1] =	wrdreg $0xFFFFFFFF  }
0xc2: {  	[dreg:$0x0] =	wrdreg $0x60  }
0xc3: {  	[dreg:$0x2] =	wrdreg s24  }
0xc4: {  	[dreg:$0x3] =	wrdreg s17  }
0xc5: {  	[dreg:$0x4] =	wrdreg $0xA  }
0xc6: {  	_ =	task.clear_ibuf [dreg:s22], $0x5FFFF;
	_ =	strace $0x90000049  }
0xc7: {  	s29 =	simm.s32 $0xA;
	_ =	strace $0x8000004B  }
0xc8: {  	_ =	swait.ge [sflag:s29], $0x1  }
0xc9: {  	[sflag:s29] =	ssyncadd.s32 $0xFFFFFFFF  }
0xca: {  	_ =	strace $0x9000004B  }
0xcb: {  	_ =	sfence  }
0xcc: {  	s30 =	sld [smem:$0x0];
	_ =	sdelay $0x2  }
0xcd: {  	s31 =	sshll.u32 s1, $0xD;
	s1 =	sshrl.u32 s1, $0x2  }
0xce: {  	s4 =	sand.u32 $0x4000, s31;
	s1 =	sadd.s32 s1, s30  }
0xcf: {  	s0 =	sor.u32 s4, s0;
	s1 =	sshll.u32 s1, $0x11  }
0xd0: {  	s0 =	sor.u32 s1, s0  }
0xd1: {  	s0 =	sadd.s32 $0x8F2B, s0  }
0xd2: {  	[sflag:s0] =	ssyncadd.remote.s32 $0x1  }
0xd3: {  	_ =	sfence.sel $0xFFFF  }
0xd4: {  	[dreg:$0x0] =	wrdreg $0xFFFFFFFF;
	(pc) =	sbr.abs _section_cstart, $3  }
0xd5: {  	[dreg:$0x1] =	wrdreg $0xFFFFFFFF  }
0xd6: {  	_ =	task.clear_ibuf [dreg:s22], $0x2FFFF;
	_ =	strace $0x9FFFFFFF  }
0xd7: {  	(tm) =	ssettm $0x7FFFFFFF  }
tec
execute0_lowered:
.L_overlay_start_1:
0x0: {  	(tag) =	ssettag $0x1  }
0x1: {  	s13 =	rddreg [dreg:$0x0]  }
0x2: {  	s1 =	srdreg.scid;
	s0 =	stileid.u32  }
0x3: {  	s14 =	rddreg [dreg:$0x1];
	s15 =	sand.u32 $0x1, s1;
	s3 =	sshll.u32 s0, $0x1  }
0x4: {  	s2 =	simm.s32 $0x0;
	s1 =	rddreg [dreg:$0x2];
	s9 =	sor.u32 s15, s3  }
0x5: {  	[smem:$0x7FF] =	sst s2;
	s3 =	sshll.u32 s9, $0x6  }
0x6: {  	_ =	strace $0x8000004A;
	s4 =	sadd.s32 s13, s3;
	s3 =	simm.s32 $0x2  }
0x7: {  	[tilespmem:s2], [sflag:$0x2] =	stream.linear.gather [hbm4b:s4+s2], $0x80, $0x38;
	[tilespmem:$0x2080] =	vst v63  }
0x8: {  	_ =	swait.ge [sflag:s3], $0x80  }
0x9: {  	s6 =	simm.s32 $0x80;
	[sflag:s3] =	ssyncset.done $0x0  }
0xa: {  	s7 =	simm.s32 $0x1;
	s5 =	sadd.s32 $0x1000, s13;
	[sflag:s3] =	ssyncadd.s32 $0xFFFFFF80  }
0xb: {  	[tilespmem:s6], [sflag:$0x1] =	stream.indirect.gather [hbm4b:s5+s6], $0x40, s2, s6, $0xb8;
	[tilespmem:$0x2080] =	vst v63  }
0xc: {  	_ =	swait.ge [sflag:s7], $0x2000  }
0xd: {  	s8 =	sshll.u32 s9, $0xC;
	[sflag:s7] =	ssyncset.done $0x0  }
0xe: {  	s16 =	sshll.u32 s9, $0x9;
	s8 =	sadd.s32 s14, s8;
	[sflag:s7] =	ssyncadd.s32 $0xFFFFE000  }
0xf: {  	[hbm4b:s8+s2] =	stream.linear.scatter [tilespmem:s6], [sflag:$0x2], $0x2000, $0x38;
	[tilespmem:$0x2080] =	vst v63  }
0x10: {  	s10 =	sor.u32 $0x80, s16;
	_ =	swait.ge [sflag:s3], $0x2000  }
0x11: {  	s30 =	sshrl.u32 s10, $0x3;
	[sflag:s3] =	ssyncset.done $0x0  }
0x12: {  	s9 =	sadd.s32 s13, s30;
	[sflag:s3] =	ssyncadd.s32 $0xFFFFE000  }
0x13: {  	[tilespmem:s2], [sflag:$0x2] =	stream.linear.gather [hbm4b:s9+s2], $0x80, $0x38;
	[tilespmem:$0x2080] =	vst v63  }
0x14: {  	_ =	swait.ge [sflag:s3], $0x80  }
0x15: {  	[sflag:s3] =	ssyncset.done $0x0  }
0x16: {  	[sflag:s3] =	ssyncadd.s32 $0xFFFFFF80  }
0x17: {  	[tilespmem:s6], [sflag:$0x1] =	stream.indirect.gather [hbm4b:s5+s6], $0x40, s2, s6, $0xb8;
	[tilespmem:$0x2080] =	vst v63  }
0x18: {  	_ =	swait.ge [sflag:s7], $0x2000  }
0x19: {  	s10 =	sshll.u32 s10, $0x3;
	[sflag:s7] =	ssyncset.done $0x0  }
0x1a: {  	s10 =	sadd.s32 s14, s10;
	[sflag:s7] =	ssyncadd.s32 $0xFFFFE000  }
0x1b: {  	[hbm4b:s10+s2] =	stream.linear.scatter [tilespmem:s6], [sflag:$0x2], $0x2000, $0x38;
	[tilespmem:$0x2080] =	vst v63  }
0x1c: {  	s12 =	sor.u32 $0x100, s16;
	_ =	swait.ge [sflag:s3], $0x2000  }
0x1d: {  	s11 =	sshrl.u32 s12, $0x3;
	[sflag:s3] =	ssyncset.done $0x0  }
0x1e: {  	s11 =	sadd.s32 s13, s11;
	[sflag:s3] =	ssyncadd.s32 $0xFFFFE000  }
0x1f: {  	[tilespmem:s2], [sflag:$0x2] =	stream.linear.gather [hbm4b:s11+s2], $0x80, $0x38;
	[tilespmem:$0x2080] =	vst v63  }
0x20: {  	_ =	swait.ge [sflag:s3], $0x80  }
0x21: {  	[sflag:s3] =	ssyncset.done $0x0  }
0x22: {  	[sflag:s3] =	ssyncadd.s32 $0xFFFFFF80  }
0x23: {  	[tilespmem:s6], [sflag:$0x1] =	stream.indirect.gather [hbm4b:s5+s6], $0x40, s2, s6, $0xb8;
	[tilespmem:$0x2080] =	vst v63  }
0x24: {  	_ =	swait.ge [sflag:s7], $0x2000  }
0x25: {  	s12 =	sshll.u32 s12, $0x3;
	[sflag:s7] =	ssyncset.done $0x0  }
0x26: {  	s12 =	sadd.s32 s14, s12;
	[sflag:s7] =	ssyncadd.s32 $0xFFFFE000  }
0x27: {  	[hbm4b:s12+s2] =	stream.linear.scatter [tilespmem:s6], [sflag:$0x2], $0x2000, $0x38;
	[tilespmem:$0x2080] =	vst v63  }
0x28: {  	s16 =	sor.u32 $0x180, s16;
	_ =	swait.ge [sflag:s3], $0x2000  }
0x29: {  	s17 =	sshrl.u32 s16, $0x3;
	[sflag:s3] =	ssyncset.done $0x0  }
0x2a: {  	s15 =	ssub.s32 $0x2, s15;
	s13 =	sadd.s32 s13, s17;
	[sflag:s3] =	ssyncadd.s32 $0xFFFFE000  }
0x2b: {  	[tilespmem:s2], [sflag:$0x2] =	stream.linear.gather [hbm4b:s13+s2], $0x80, $0x38;
	[tilespmem:$0x2080] =	vst v63  }
0x2c: {  	s31 =	sshrl.u32 s15, $0x1;
	_ =	swait.ge [sflag:s3], $0x80  }
0x2d: {  	s15 =	ssub.s32 s15, s31;
	[sflag:s3] =	ssyncset.done $0x0  }
0x2e: {  	s15 =	smax.u32 s15, $0x1;
	[sflag:s3] =	ssyncadd.s32 $0xFFFFFF80  }
0x2f: {  	[tilespmem:s6], [sflag:$0x1] =	stream.indirect.gather [hbm4b:s5+s6], $0x40, s2, s6, $0xb8;
	[tilespmem:$0x2080] =	vst v63  }
0x30: {  	p0 =	sne.s32 s15, $0x1;
	_ =	swait.ge [sflag:s7], $0x2000  }
.Ltmp0:
0x31: {  	s16 =	sshll.u32 s16, $0x3;
	[sflag:s7] =	ssyncset.done $0x0;
	(pc) =	sbr.rel @!p0 .LBB2_2-.Ltmp0, $4  }
0x32: {  	s14 =	sadd.s32 s14, s16;
	[sflag:s7] =	ssyncadd.s32 $0xFFFFE000  }
0x33: {  	[hbm4b:s14+s2] =	stream.linear.scatter [tilespmem:s6], [sflag:$0x2], $0x2000, $0x38;
	[tilespmem:$0x2080] =	vst v63  }
0x34: {  	_ =	swait.ge [sflag:s3], $0x2000  }
0x35: {  	s15 =	sadd.s32 $0xFFFFFFFF, s15;
	[sflag:s3] =	ssyncset.done $0x0  }
.LBB2_1:
0x36: {  	p0 =	sne.s32 s15, $0x1;
	s15 =	sadd.s32 $0xFFFFFFFF, s15;
	[sflag:s3] =	ssyncadd.s32 $0xFFFFE000  }
0x37: {  	[tilespmem:s2], [sflag:$0x2] =	stream.linear.gather [hbm4b:s4+s2], $0x80, $0x38;
	[tilespmem:$0x2080] =	vst v63  }
0x38: {  	_ =	swait.ge [sflag:s3], $0x80  }
0x39: {  	[sflag:s3] =	ssyncset.done $0x0  }
0x3a: {  	[sflag:s3] =	ssyncadd.s32 $0xFFFFFF80  }
0x3b: {  	[tilespmem:s6], [sflag:$0x1] =	stream.indirect.gather [hbm4b:s5+s6], $0x40, s2, s6, $0xb8;
	[tilespmem:$0x2080] =	vst v63  }
0x3c: {  	_ =	swait.ge [sflag:s7], $0x2000  }
0x3d: {  	[sflag:s7] =	ssyncset.done $0x0  }
0x3e: {  	[sflag:s7] =	ssyncadd.s32 $0xFFFFE000  }
0x3f: {  	[hbm4b:s8+s2] =	stream.linear.scatter [tilespmem:s6], [sflag:$0x2], $0x2000, $0x38;
	[tilespmem:$0x2080] =	vst v63  }
0x40: {  	_ =	swait.ge [sflag:s3], $0x2000  }
0x41: {  	[sflag:s3] =	ssyncset.done $0x0  }
0x42: {  	[sflag:s3] =	ssyncadd.s32 $0xFFFFE000  }
0x43: {  	[tilespmem:s2], [sflag:$0x2] =	stream.linear.gather [hbm4b:s9+s2], $0x80, $0x38;
	[tilespmem:$0x2080] =	vst v63  }
0x44: {  	_ =	swait.ge [sflag:s3], $0x80  }
0x45: {  	[sflag:s3] =	ssyncset.done $0x0  }
0x46: {  	[sflag:s3] =	ssyncadd.s32 $0xFFFFFF80  }
0x47: {  	[tilespmem:s6], [sflag:$0x1] =	stream.indirect.gather [hbm4b:s5+s6], $0x40, s2, s6, $0xb8;
	[tilespmem:$0x2080] =	vst v63  }
0x48: {  	_ =	swait.ge [sflag:s7], $0x2000  }
0x49: {  	[sflag:s7] =	ssyncset.done $0x0  }
0x4a: {  	[sflag:s7] =	ssyncadd.s32 $0xFFFFE000  }
0x4b: {  	[hbm4b:s10+s2] =	stream.linear.scatter [tilespmem:s6], [sflag:$0x2], $0x2000, $0x38;
	[tilespmem:$0x2080] =	vst v63  }
0x4c: {  	_ =	swait.ge [sflag:s3], $0x2000  }
0x4d: {  	[sflag:s3] =	ssyncset.done $0x0  }
0x4e: {  	[sflag:s3] =	ssyncadd.s32 $0xFFFFE000  }
0x4f: {  	[tilespmem:s2], [sflag:$0x2] =	stream.linear.gather [hbm4b:s11+s2], $0x80, $0x38;
	[tilespmem:$0x2080] =	vst v63  }
0x50: {  	_ =	swait.ge [sflag:s3], $0x80  }
0x51: {  	[sflag:s3] =	ssyncset.done $0x0  }
0x52: {  	[sflag:s3] =	ssyncadd.s32 $0xFFFFFF80  }
0x53: {  	[tilespmem:s6], [sflag:$0x1] =	stream.indirect.gather [hbm4b:s5+s6], $0x40, s2, s6, $0xb8;
	[tilespmem:$0x2080] =	vst v63  }
0x54: {  	_ =	swait.ge [sflag:s7], $0x2000  }
0x55: {  	[sflag:s7] =	ssyncset.done $0x0  }
0x56: {  	[sflag:s7] =	ssyncadd.s32 $0xFFFFE000  }
0x57: {  	[hbm4b:s12+s2] =	stream.linear.scatter [tilespmem:s6], [sflag:$0x2], $0x2000, $0x38;
	[tilespmem:$0x2080] =	vst v63  }
0x58: {  	_ =	swait.ge [sflag:s3], $0x2000  }
0x59: {  	[sflag:s3] =	ssyncset.done $0x0  }
0x5a: {  	[sflag:s3] =	ssyncadd.s32 $0xFFFFE000  }
0x5b: {  	[tilespmem:s2], [sflag:$0x2] =	stream.linear.gather [hbm4b:s13+s2], $0x80, $0x38;
	[tilespmem:$0x2080] =	vst v63  }
0x5c: {  	_ =	swait.ge [sflag:s3], $0x80  }
0x5d: {  	[sflag:s3] =	ssyncset.done $0x0  }
0x5e: {  	[sflag:s3] =	ssyncadd.s32 $0xFFFFFF80  }
0x5f: {  	[tilespmem:s6], [sflag:$0x1] =	stream.indirect.gather [hbm4b:s5+s6], $0x40, s2, s6, $0xb8;
	[tilespmem:$0x2080] =	vst v63  }
0x60: {  	_ =	swait.ge [sflag:s7], $0x2000  }
.Ltmp1:
0x61: {  	[sflag:s7] =	ssyncset.done $0x0;
	(pc) =	sbr.rel @p0 .LBB2_1-.Ltmp1, $4  }
0x62: {  	[sflag:s7] =	ssyncadd.s32 $0xFFFFE000  }
0x63: {  	[hbm4b:s14+s2] =	stream.linear.scatter [tilespmem:s6], [sflag:$0x2], $0x2000, $0x38;
	[tilespmem:$0x2080] =	vst v63  }
0x64: {  	_ =	swait.ge [sflag:s3], $0x2000  }
0x65: {  	[sflag:s3] =	ssyncset.done $0x0  }
.LBB2_2:
0x66: {  	[sflag:s3] =	ssyncadd.s32 $0xFFFFE000  }
0x67: {  	_ =	sfence.sel $0x180000  }
0x68: {  	[bflag:$0x0] =	sbarrier.arrive $0xFFFF  }
0x69: {  	p0 =	sne.s32 s0, $0x0;
	_ =	strace $0x9000004A  }
0x6a: {  	s0 =	sadd.s32 @!p0 $0x100000, s1;
	[bflag:$0x2] =	sbarrier.arrive $0xFFFF  }
0x6b: {  	[sflag:s0] =	ssyncadd.tile.s32 @!p0 $0x1;
	_ =	shalt  }
.Lfunc_end2:
_tile_overlayer_lowered:
.L_overlay_start_2:
0x6c: {  	(tag) =	ssettag $0x2  }
0x6d: {  	s0 =	rddreg [dreg:$0x0];
	s2 =	stileid.u32  }
0x6e: {  	s1 =	rddreg [dreg:$0x1];
	p0 =	sne.s32 s2, $0x0  }
0x6f: {  	s3 =	rddreg [dreg:$0x2];
	[bflag:$0x3] =	sbarrier.arrive $0xFFFF;
	s2 =	simm.s32 @!p0 $0x1C02  }
0x70: {  	[timem:s3], [sflag:s2] =	dma.local @!p0 [hbm:s0], s1  }
0x71: {  	s0 =	simm.s32 @!p0 $0x2  }
0x72: {  	_ =	swait.ge @!p0 [sflag:s0], s1  }
0x73: {  	s1 =	ssub.s32 @!p0 $0x0, s1;
	[sflag:s0] =	ssyncset.done @!p0 $0x0  }
0x74: {  	[sflag:s0] =	ssyncadd.s32 @!p0 s1  }
0x75: {  	[bflag:$0x3] =	sbarrier.arrive $0xFFFF  }
0x76: {  	_ =	shalt  }

</sc_bundles>
